<compile_context>
chip_gen: v7x
topology: tpu7x:2x2x1
jax: 0.10.2.dev20260603
libtpu: 0.0.44.dev20260713+nightly
codegen_flags: <defaults>
</compile_context>

<pallas_src>
import functools

import jax
import jax.numpy as jnp
from jax import lax
from jax.experimental import pallas as pl
from jax.experimental.pallas import tpu as pltpu
from jax.experimental.pallas import tpu_sc as plsc

N = 4096
L = 16
NC = 2
NS = 16
NW = NC * NS
ROWS_PER_W = N // NW
NCHUNK = N // L
U = 4
NGRP = N // (L * U)
EPS = 1e-8
IMAX = 2**31 - 1


def _diag_body(g_ref, d_ref):
    blk = g_ref[...]
    rio = lax.broadcasted_iota(jnp.int32, (128, 128), 0)
    cio = lax.broadcasted_iota(jnp.int32, (128, 128), 1)
    d_ref[0, :] = jnp.sum(jnp.where(rio == cio, blk, 0.0), axis=0)


def _extract_diag(g):
    out = pl.pallas_call(
        _diag_body,
        grid=(N // 128,),
        in_specs=[pl.BlockSpec((128, 128), lambda r: (r, r))],
        out_specs=pl.BlockSpec((1, 128), lambda r: (0, r)),
        out_shape=jax.ShapeDtypeStruct((1, N), jnp.float32),
    )(g)
    return out.reshape(N)


def _sc_body(gram, diag_hbm, part, diag_v, rowbuf, stage):
    c = lax.axis_index("c")
    s = lax.axis_index("s")
    wid = s * NC + c

    pltpu.sync_copy(diag_hbm, diag_v.at[pl.ds(0, N)])
    io16 = lax.iota(jnp.int32, L)

    def row_step(t, carry):
        i = wid + NW * t
        pltpu.sync_copy(gram.at[i], rowbuf)
        i_vec = jnp.full((L,), i, jnp.int32)
        di = jnp.full((L,), diag_v[pl.ds(i, L)][0], jnp.float32)

        def chunk(jb, idx, cc, jvec=None):
            mv, mi, mg = cc
            v = rowbuf[pl.ds(jb, L)]
            dj = diag_v[pl.ds(jb, L)]
            t1 = dj - v
            den = di + dj - (v + v) + EPS
            g = t1 / den
            cond1 = v < dj
            cond2 = v < di
            g = jnp.where(cond1, g, 0.0)
            g = jnp.where(cond2, g, 1.0)
            cost = dj + g * (v - dj)
            cost = jnp.where(cond1, cost, dj)
            cost = jnp.where(cond2, cost, di)
            if jvec is not None:
                cost = jnp.where(jvec > i_vec, cost, jnp.inf)
            better = cost < mv
            return (jnp.where(better, cost, mv),
                    jnp.where(better, idx, mi),
                    jnp.where(better, g, mg))

        g0 = i // (L * U)
        jb0 = g0 * (L * U)
        cc = carry
        for u in range(U):
            jvec = io16 + (jb0 + u * L)
            cc = chunk(jb0 + u * L, i_vec * N + jvec, cc, jvec=jvec)

        idx0 = i_vec * N + io16 + (jb0 + L * U)

        def group(gg, st):
            idxv, gcc = st
            jb = gg * (L * U)
            for u in range(U):
                gcc = chunk(jb + u * L, idxv + u * L, gcc)
            return idxv + L * U, gcc

        _, cc = lax.fori_loop(g0 + 1, NGRP, group, (idx0, cc))
        return cc

    init = (jnp.full((L,), jnp.inf, jnp.float32),
            jnp.zeros((L,), jnp.int32),
            jnp.zeros((L,), jnp.float32))
    mval, midx, mgam = lax.fori_loop(0, ROWS_PER_W, row_step, init)

    stage[pl.ds(0, L)] = mval
    stage[pl.ds(L, L)] = lax.bitcast_convert_type(midx, jnp.float32)
    stage[pl.ds(2 * L, L)] = mgam
    pltpu.sync_copy(stage, part.at[wid])


def _sc_solve(gram, diag):
    mesh = plsc.VectorSubcoreMesh(core_axis_name="c", subcore_axis_name="s")
    run = functools.partial(
        pl.kernel,
        mesh=mesh,
        out_type=jax.ShapeDtypeStruct((NW, 3 * L), jnp.float32),
        scratch_types=[
            pltpu.VMEM((N + L,), jnp.float32),
            pltpu.VMEM((N,), jnp.float32),
            pltpu.VMEM((3 * L,), jnp.float32),
        ],
    )(_sc_body)
    return run(gram, diag)


def _merge_body(p_ref, o_ref):
    p = p_ref[...]
    vals = p[:, 0:L]
    idx = lax.bitcast_convert_type(p[:, L:2 * L], jnp.int32)
    gams = p[:, 2 * L:3 * L]
    m = jnp.min(vals)
    tied = vals == m
    bid = jnp.min(jnp.where(tied, idx, IMAX))
    g = jnp.sum(jnp.where(tied & (idx == bid), gams, 0.0))
    i_w = lax.shift_right_logical(bid, 12)
    j_w = jnp.bitwise_and(bid, N - 1)
    cio = lax.broadcasted_iota(jnp.int32, (1, N), 1)
    o_ref[...] = jnp.where(cio == i_w, g,
                 jnp.where(cio == j_w, 1.0 - g, 0.0))


def _merge(partials):
    out = pl.pallas_call(
        _merge_body,
        out_shape=jax.ShapeDtypeStruct((1, N), jnp.float32),
    )(partials)
    return out.reshape(N)


def kernel(grammian):
    diag = _extract_diag(grammian)
    partials = _sc_solve(grammian, diag)
    return _merge(partials)

# --- scband reference (transcript-rebuilt; emitter-appended) ---
"""Pipeline reference for scband-min-norm-planar-solver-35880156791530 (READ-ONLY COPY).

The authoritative reference and input builder live on the scoring server;
editing this copy changes nothing except your own understanding.
"""

import jax, jax.numpy as jnp
import numpy as np

N_TASKS = 4096


def setup_inputs(seed: int = 0) -> dict:
    key = jax.random.key(seed)
    grammian = jax.random.normal(key, (N_TASKS, N_TASKS), dtype=jnp.float32)
    return {"grammian": grammian}


def reference(grammian):
    n = grammian.shape[0]
    i_np, j_np = np.triu_indices(n, 1)
    i_triu = jnp.asarray(i_np, dtype=jnp.int32)
    j_triu = jnp.asarray(j_np, dtype=jnp.int32)

    # gathers (memory-bound): vivj, vivi, vjvj
    vivj = grammian[i_triu, j_triu]
    vivi = grammian[i_triu, i_triu]
    vjvj = grammian[j_triu, j_triu]

    # vectorized line solver (torch .where(cond, other) == keep self where cond)
    gamma = (vjvj - vivj) / (vivi + vjvj - 2.0 * vivj + 1e-08)
    gamma = jnp.where(vivj < vjvj, gamma, jnp.zeros_like(gamma))
    gamma = jnp.where(vivj < vivi, gamma, jnp.ones_like(gamma))
    cost = vjvj + gamma * (vivj - vjvj)
    cost = jnp.where(vivj < vjvj, cost, vjvj)
    cost = jnp.where(vivj < vivi, cost, vivi)

    offset = jnp.argmin(cost)
    i_min = i_triu[offset]
    j_min = j_triu[offset]

    sol = jnp.zeros((n,), dtype=grammian.dtype)
    sol = sol.at[i_min].set(gamma[offset])
    sol = sol.at[j_min].set(1.0 - gamma[offset])
    return sol

if __name__ == "__main__":
    import jax
    _d = setup_inputs()
    print(jax.jit(kernel)(*tuple(_d.values())))

</pallas_src>

<mosaic_0001>
#map = affine_map<(d0, d1) -> (0, 0)>
#map1 = affine_map<(d0, d1) -> (0)>
module attributes {stable_mosaic.version = 14 : i64} {
  func.func @_sc_body(%arg0: i32, %arg1: i32, %arg2: memref<4096x4096xf32, #tpu.memory_space<hbm>>, %arg3: memref<4096xf32, #tpu.memory_space<hbm>>, %arg4: memref<32x48xf32, #tpu.memory_space<hbm>>, %arg5: memref<4112xf32, #tpu.memory_space<vmem>>, %arg6: memref<4096xf32, #tpu.memory_space<vmem>>, %arg7: memref<48xf32, #tpu.memory_space<vmem>>) attributes {dimension_semantics = [#tpu.dimension_semantics<core_parallel>, #tpu.dimension_semantics<subcore_parallel>], iteration_bounds = array<i64: 2, 16>, scalar_prefetch = 0 : i64, scratch_operands = 3 : i64, tpu.core_type = #tpu.core_type<sc_vector_subcore>, window_params = [{transform_indices = #map}, {transform_indices = #map1}, {transform_indices = #map}]} {
    %mul3A = arith.constant 2 : i32
    %mul3A_0 = arith.muli %arg1, %mul3A : i32
    %add3A = arith.addi %mul3A_0, %arg0 : i32
    "tpu.region"() ({
      %run_scoped3A = tpu.sem_alloc : memref<!tpu.dma_semaphore, #tpu.memory_space<semaphore_mem>>
      %dma_start3A = arith.constant 0 : i32
      %dma_start3A_22 = tpu.memref_slice %arg5[%dma_start3A] : memref<4112xf32, #tpu.memory_space<vmem>> -> memref<4096xf32, #tpu.memory_space<vmem>>
      %dma_start3A_23 = arith.constant 0 : i32
      %dma_start3A_24 = tpu.memref_slice %arg5[%dma_start3A_23] : memref<4112xf32, #tpu.memory_space<vmem>> -> memref<4096xf32, #tpu.memory_space<vmem>>
      tpu.enqueue_dma source(%arg3 : memref<4096xf32, #tpu.memory_space<hbm>>) target(%dma_start3A_24 : memref<4096xf32, #tpu.memory_space<vmem>>) target_semaphore(%run_scoped3A : memref<!tpu.dma_semaphore, #tpu.memory_space<semaphore_mem>>)
      %dma_wait3A = arith.constant 0 : i32
      %dma_wait3A_25 = tpu.memref_slice %arg5[%dma_wait3A] : memref<4112xf32, #tpu.memory_space<vmem>> -> memref<4096xf32, #tpu.memory_space<vmem>>
      %dma_wait3A_26 = arith.constant 0 : i32
      %dma_wait3A_27 = tpu.memref_slice %arg5[%dma_wait3A_26] : memref<4112xf32, #tpu.memory_space<vmem>> -> memref<4096xf32, #tpu.memory_space<vmem>>
      tpu.wait_dma2 semaphore(%run_scoped3A : memref<!tpu.dma_semaphore, #tpu.memory_space<semaphore_mem>>) src(%arg3 : memref<4096xf32, #tpu.memory_space<hbm>>) dst(%dma_wait3A_27 : memref<4096xf32, #tpu.memory_space<vmem>>)
      tpu.yield
    }) : () -> ()
    %iota3A = tpu.iota {dimensions = array<i32: 0>} : vector<16xi32>
    %broadcast_in_dim3A = arith.constant 0x7F800000 : f32
    %broadcast_in_dim3A_1 = vector.broadcast %broadcast_in_dim3A : f32 to vector<16xf32>
    %broadcast_in_dim3A_2 = arith.constant 0 : i32
    %broadcast_in_dim3A_3 = vector.broadcast %broadcast_in_dim3A_2 : i32 to vector<16xi32>
    %broadcast_in_dim3A_4 = arith.constant 0.000000e+00 : f32
    %broadcast_in_dim3A_5 = vector.broadcast %broadcast_in_dim3A_4 : f32 to vector<16xf32>
    %scan3A = arith.constant 0 : i32
    %scan3A_6 = arith.constant 128 : i32
    %scan3A_7 = arith.addi %scan3A, %scan3A_6 : i32
    %scan3A_8 = arith.constant 1 : i32
    %scan3A_9:3 = scf.for %scan3A_22 = %scan3A to %scan3A_7 step %scan3A_8 iter_args(%scan3A_23 = %broadcast_in_dim3A_1, %scan3A_24 = %broadcast_in_dim3A_3, %scan3A_25 = %broadcast_in_dim3A_5) -> (vector<16xf32>, vector<16xi32>, vector<16xf32>)  : i32 {
      %mul3A_26 = arith.constant 32 : i32
      %mul3A_27 = arith.muli %mul3A_26, %scan3A_22 : i32
      %add3A_28 = arith.addi %add3A, %mul3A_27 : i32
      "tpu.region"() ({
        %run_scoped3A = tpu.sem_alloc : memref<!tpu.dma_semaphore, #tpu.memory_space<semaphore_mem>>
        %dma_start3A = arith.constant 0 : i32
        %dma_start3A_249 = tpu.memref_slice %arg2[%add3A_28, %dma_start3A] : memref<4096x4096xf32, #tpu.memory_space<hbm>> -> memref<1x4096xf32, #tpu.memory_space<hbm>>
        %dma_start3A_250 = tpu.memref_squeeze %dma_start3A_249 : memref<1x4096xf32, #tpu.memory_space<hbm>> -> memref<4096xf32, #tpu.memory_space<hbm>>
        %dma_start3A_251 = arith.constant 0 : i32
        %dma_start3A_252 = tpu.memref_slice %arg2[%add3A_28, %dma_start3A_251] : memref<4096x4096xf32, #tpu.memory_space<hbm>> -> memref<1x4096xf32, #tpu.memory_space<hbm>>
        %dma_start3A_253 = tpu.memref_squeeze %dma_start3A_252 : memref<1x4096xf32, #tpu.memory_space<hbm>> -> memref<4096xf32, #tpu.memory_space<hbm>>
        tpu.enqueue_dma source(%dma_start3A_253 : memref<4096xf32, #tpu.memory_space<hbm>>) target(%arg6 : memref<4096xf32, #tpu.memory_space<vmem>>) target_semaphore(%run_scoped3A : memref<!tpu.dma_semaphore, #tpu.memory_space<semaphore_mem>>)
        %dma_wait3A = arith.constant 0 : i32
        %dma_wait3A_254 = tpu.memref_slice %arg2[%add3A_28, %dma_wait3A] : memref<4096x4096xf32, #tpu.memory_space<hbm>> -> memref<1x4096xf32, #tpu.memory_space<hbm>>
        %dma_wait3A_255 = tpu.memref_squeeze %dma_wait3A_254 : memref<1x4096xf32, #tpu.memory_space<hbm>> -> memref<4096xf32, #tpu.memory_space<hbm>>
        %dma_wait3A_256 = arith.constant 0 : i32
        %dma_wait3A_257 = tpu.memref_slice %arg2[%add3A_28, %dma_wait3A_256] : memref<4096x4096xf32, #tpu.memory_space<hbm>> -> memref<1x4096xf32, #tpu.memory_space<hbm>>
        %dma_wait3A_258 = tpu.memref_squeeze %dma_wait3A_257 : memref<1x4096xf32, #tpu.memory_space<hbm>> -> memref<4096xf32, #tpu.memory_space<hbm>>
        tpu.wait_dma2 semaphore(%run_scoped3A : memref<!tpu.dma_semaphore, #tpu.memory_space<semaphore_mem>>) src(%dma_wait3A_258 : memref<4096xf32, #tpu.memory_space<hbm>>) dst(%arg6 : memref<4096xf32, #tpu.memory_space<vmem>>)
        tpu.yield
      }) : () -> ()
      %broadcast_in_dim3A_29 = vector.broadcast %add3A_28 : i32 to vector<16xi32>
      %get3A = arith.index_cast %add3A_28 : i32 to index
      %get3A_30 = tpu.vector_load %arg5[%get3A] {strides = array<i32>} : memref<4112xf32, #tpu.memory_space<vmem>>, vector<16xf32>,
      %get3A_31 = vector.shape_cast %get3A_30 : vector<16xf32> to vector<16xf32>
      %slice3A = vector.extract_strided_slice %get3A_31 {offsets = [0], sizes = [1], strides = [1]} : vector<16xf32> to vector<1xf32>
      %squeeze3A = vector.extract %slice3A[0] : f32 from vector<1xf32>
      %broadcast_in_dim3A_32 = vector.broadcast %squeeze3A : f32 to vector<16xf32>
      %jit3A = arith.constant 64 : i32
      %div3A = arith.divsi %add3A_28, %jit3A : i32
      %sign3A = arith.constant 0 : i32
      %sign3A_33 = arith.cmpi sgt, %add3A_28, %sign3A : i32
      %sign3A_34 = arith.extui %sign3A_33 : i1 to i32
      %sign3A_35 = arith.constant 0 : i32
      %sign3A_36 = arith.cmpi slt, %add3A_28, %sign3A_35 : i32
      %sign3A_37 = arith.extui %sign3A_36 : i1 to i32
      %sign3A_38 = arith.subi %sign3A_34, %sign3A_37 : i32
      %sign3A_39 = arith.constant 0 : i32
      %sign3A_40 = arith.cmpi sgt, %jit3A, %sign3A_39 : i32
      %sign3A_41 = arith.extui %sign3A_40 : i1 to i32
      %sign3A_42 = arith.constant 0 : i32
      %sign3A_43 = arith.cmpi slt, %jit3A, %sign3A_42 : i32
      %sign3A_44 = arith.extui %sign3A_43 : i1 to i32
      %sign3A_45 = arith.subi %sign3A_41, %sign3A_44 : i32
      %ne3A = arith.cmpi ne, %sign3A_38, %sign3A_45 : i32
      %rem3A = arith.remsi %add3A_28, %jit3A : i32
      %ne3A_46 = arith.constant 0 : i32
      %ne3A_47 = arith.cmpi ne, %rem3A, %ne3A_46 : i32
      %and3A = arith.andi %ne3A, %ne3A_47 : i1
      %sub3A = arith.constant 1 : i32
      %sub3A_48 = arith.subi %div3A, %sub3A : i32
      %select_n3A = arith.select %and3A, %sub3A_48, %div3A : i32
      %mul3A_49 = arith.constant 64 : i32
      %mul3A_50 = arith.muli %select_n3A, %mul3A_49 : i32
      %add3A_51 = arith.constant 0 : i32
      %add3A_52 = arith.addi %mul3A_50, %add3A_51 : i32
      %add3A_53 = vector.broadcast %add3A_52 : i32 to vector<16xi32>
      %add3A_54 = arith.addi %iota3A, %add3A_53 : vector<16xi32>
      %add3A_55 = arith.constant 0 : i32
      %add3A_56 = arith.addi %mul3A_50, %add3A_55 : i32
      %mul3A_57 = arith.constant 4096 : i32
      %mul3A_58 = vector.broadcast %mul3A_57 : i32 to vector<16xi32>
      %mul3A_59 = arith.muli %broadcast_in_dim3A_29, %mul3A_58 : vector<16xi32>
      %add3A_60 = arith.addi %mul3A_59, %add3A_54 : vector<16xi32>
      %get3A_61 = arith.index_cast %add3A_56 : i32 to index
      %get3A_62 = tpu.vector_load %arg6[%get3A_61] {strides = array<i32>} : memref<4096xf32, #tpu.memory_space<vmem>>, vector<16xf32>,
      %get3A_63 = vector.shape_cast %get3A_62 : vector<16xf32> to vector<16xf32>
      %get3A_64 = arith.index_cast %add3A_56 : i32 to index
      %get3A_65 = tpu.vector_load %arg5[%get3A_64] {strides = array<i32>} : memref<4112xf32, #tpu.memory_space<vmem>>, vector<16xf32>,
      %get3A_66 = vector.shape_cast %get3A_65 : vector<16xf32> to vector<16xf32>
      %sub3A_67 = arith.subf %get3A_66, %get3A_63 : vector<16xf32>
      %add3A_68 = arith.addf %broadcast_in_dim3A_32, %get3A_66 : vector<16xf32>
      %add3A_69 = arith.addf %get3A_63, %get3A_63 : vector<16xf32>
      %sub3A_70 = arith.subf %add3A_68, %add3A_69 : vector<16xf32>
      %add3A_71 = arith.constant 9.99999993E-9 : f32
      %add3A_72 = vector.broadcast %add3A_71 : f32 to vector<16xf32>
      %add3A_73 = arith.addf %sub3A_70, %add3A_72 : vector<16xf32>
      %div3A_74 = arith.divf %sub3A_67, %add3A_73 : vector<16xf32>
      %lt3A = arith.cmpf olt, %get3A_63, %get3A_66 : vector<16xf32>
      %lt3A_75 = arith.cmpf olt, %get3A_63, %broadcast_in_dim3A_32 : vector<16xf32>
      %jit3A_76 = arith.constant 0.000000e+00 : f32
      %broadcast_in_dim3A_77 = vector.broadcast %jit3A_76 : f32 to vector<16xf32>
      %select_n3A_78 = arith.select %lt3A, %div3A_74, %broadcast_in_dim3A_77 : vector<16xi1>, vector<16xf32>
      %jit3A_79 = arith.constant 1.000000e+00 : f32
      %broadcast_in_dim3A_80 = vector.broadcast %jit3A_79 : f32 to vector<16xf32>
      %select_n3A_81 = arith.select %lt3A_75, %select_n3A_78, %broadcast_in_dim3A_80 : vector<16xi1>, vector<16xf32>
      %sub3A_82 = arith.subf %get3A_63, %get3A_66 : vector<16xf32>
      %mul3A_83 = arith.mulf %select_n3A_81, %sub3A_82 : vector<16xf32>
      %add3A_84 = arith.addf %get3A_66, %mul3A_83 : vector<16xf32>
      %select_n3A_85 = arith.select %lt3A, %add3A_84, %get3A_66 : vector<16xi1>, vector<16xf32>
      %select_n3A_86 = arith.select %lt3A_75, %select_n3A_85, %broadcast_in_dim3A_32 : vector<16xi1>, vector<16xf32>
      %gt3A = arith.cmpi sgt, %add3A_54, %broadcast_in_dim3A_29 : vector<16xi32>
      %jit3A_87 = arith.constant 0x7F800000 : f32
      %broadcast_in_dim3A_88 = vector.broadcast %jit3A_87 : f32 to vector<16xf32>
      %select_n3A_89 = arith.select %gt3A, %select_n3A_86, %broadcast_in_dim3A_88 : vector<16xi1>, vector<16xf32>
      %lt3A_90 = arith.cmpf olt, %select_n3A_89, %scan3A_23 : vector<16xf32>
      %select_n3A_91 = arith.select %lt3A_90, %select_n3A_89, %scan3A_23 : vector<16xi1>, vector<16xf32>
      %select_n3A_92 = arith.select %lt3A_90, %add3A_60, %scan3A_24 : vector<16xi1>, vector<16xi32>
      %select_n3A_93 = arith.select %lt3A_90, %select_n3A_81, %scan3A_25 : vector<16xi1>, vector<16xf32>
      %add3A_94 = arith.constant 16 : i32
      %add3A_95 = arith.addi %mul3A_50, %add3A_94 : i32
      %add3A_96 = vector.broadcast %add3A_95 : i32 to vector<16xi32>
      %add3A_97 = arith.addi %iota3A, %add3A_96 : vector<16xi32>
      %add3A_98 = arith.constant 16 : i32
      %add3A_99 = arith.addi %mul3A_50, %add3A_98 : i32
      %mul3A_100 = arith.constant 4096 : i32
      %mul3A_101 = vector.broadcast %mul3A_100 : i32 to vector<16xi32>
      %mul3A_102 = arith.muli %broadcast_in_dim3A_29, %mul3A_101 : vector<16xi32>
      %add3A_103 = arith.addi %mul3A_102, %add3A_97 : vector<16xi32>
      %get3A_104 = arith.index_cast %add3A_99 : i32 to index
      %get3A_105 = tpu.vector_load %arg6[%get3A_104] {strides = array<i32>} : memref<4096xf32, #tpu.memory_space<vmem>>, vector<16xf32>,
      %get3A_106 = vector.shape_cast %get3A_105 : vector<16xf32> to vector<16xf32>
      %get3A_107 = arith.index_cast %add3A_99 : i32 to index
      %get3A_108 = tpu.vector_load %arg5[%get3A_107] {strides = array<i32>} : memref<4112xf32, #tpu.memory_space<vmem>>, vector<16xf32>,
      %get3A_109 = vector.shape_cast %get3A_108 : vector<16xf32> to vector<16xf32>
      %sub3A_110 = arith.subf %get3A_109, %get3A_106 : vector<16xf32>
      %add3A_111 = arith.addf %broadcast_in_dim3A_32, %get3A_109 : vector<16xf32>
      %add3A_112 = arith.addf %get3A_106, %get3A_106 : vector<16xf32>
      %sub3A_113 = arith.subf %add3A_111, %add3A_112 : vector<16xf32>
      %add3A_114 = arith.constant 9.99999993E-9 : f32
      %add3A_115 = vector.broadcast %add3A_114 : f32 to vector<16xf32>
      %add3A_116 = arith.addf %sub3A_113, %add3A_115 : vector<16xf32>
      %div3A_117 = arith.divf %sub3A_110, %add3A_116 : vector<16xf32>
      %lt3A_118 = arith.cmpf olt, %get3A_106, %get3A_109 : vector<16xf32>
      %lt3A_119 = arith.cmpf olt, %get3A_106, %broadcast_in_dim3A_32 : vector<16xf32>
      %jit3A_120 = arith.constant 0.000000e+00 : f32
      %broadcast_in_dim3A_121 = vector.broadcast %jit3A_120 : f32 to vector<16xf32>
      %select_n3A_122 = arith.select %lt3A_118, %div3A_117, %broadcast_in_dim3A_121 : vector<16xi1>, vector<16xf32>
      %jit3A_123 = arith.constant 1.000000e+00 : f32
      %broadcast_in_dim3A_124 = vector.broadcast %jit3A_123 : f32 to vector<16xf32>
      %select_n3A_125 = arith.select %lt3A_119, %select_n3A_122, %broadcast_in_dim3A_124 : vector<16xi1>, vector<16xf32>
      %sub3A_126 = arith.subf %get3A_106, %get3A_109 : vector<16xf32>
      %mul3A_127 = arith.mulf %select_n3A_125, %sub3A_126 : vector<16xf32>
      %add3A_128 = arith.addf %get3A_109, %mul3A_127 : vector<16xf32>
      %select_n3A_129 = arith.select %lt3A_118, %add3A_128, %get3A_109 : vector<16xi1>, vector<16xf32>
      %select_n3A_130 = arith.select %lt3A_119, %select_n3A_129, %broadcast_in_dim3A_32 : vector<16xi1>, vector<16xf32>
      %gt3A_131 = arith.cmpi sgt, %add3A_97, %broadcast_in_dim3A_29 : vector<16xi32>
      %jit3A_132 = arith.constant 0x7F800000 : f32
      %broadcast_in_dim3A_133 = vector.broadcast %jit3A_132 : f32 to vector<16xf32>
      %select_n3A_134 = arith.select %gt3A_131, %select_n3A_130, %broadcast_in_dim3A_133 : vector<16xi1>, vector<16xf32>
      %lt3A_135 = arith.cmpf olt, %select_n3A_134, %select_n3A_91 : vector<16xf32>
      %select_n3A_136 = arith.select %lt3A_135, %select_n3A_134, %select_n3A_91 : vector<16xi1>, vector<16xf32>
      %select_n3A_137 = arith.select %lt3A_135, %add3A_103, %select_n3A_92 : vector<16xi1>, vector<16xi32>
      %select_n3A_138 = arith.select %lt3A_135, %select_n3A_125, %select_n3A_93 : vector<16xi1>, vector<16xf32>
      %add3A_139 = arith.constant 32 : i32
      %add3A_140 = arith.addi %mul3A_50, %add3A_139 : i32
      %add3A_141 = vector.broadcast %add3A_140 : i32 to vector<16xi32>
      %add3A_142 = arith.addi %iota3A, %add3A_141 : vector<16xi32>
      %add3A_143 = arith.constant 32 : i32
      %add3A_144 = arith.addi %mul3A_50, %add3A_143 : i32
      %mul3A_145 = arith.constant 4096 : i32
      %mul3A_146 = vector.broadcast %mul3A_145 : i32 to vector<16xi32>
      %mul3A_147 = arith.muli %broadcast_in_dim3A_29, %mul3A_146 : vector<16xi32>
      %add3A_148 = arith.addi %mul3A_147, %add3A_142 : vector<16xi32>
      %get3A_149 = arith.index_cast %add3A_144 : i32 to index
      %get3A_150 = tpu.vector_load %arg6[%get3A_149] {strides = array<i32>} : memref<4096xf32, #tpu.memory_space<vmem>>, vector<16xf32>,
      %get3A_151 = vector.shape_cast %get3A_150 : vector<16xf32> to vector<16xf32>
      %get3A_152 = arith.index_cast %add3A_144 : i32 to index
      %get3A_153 = tpu.vector_load %arg5[%get3A_152] {strides = array<i32>} : memref<4112xf32, #tpu.memory_space<vmem>>, vector<16xf32>,
      %get3A_154 = vector.shape_cast %get3A_153 : vector<16xf32> to vector<16xf32>
      %sub3A_155 = arith.subf %get3A_154, %get3A_151 : vector<16xf32>
      %add3A_156 = arith.addf %broadcast_in_dim3A_32, %get3A_154 : vector<16xf32>
      %add3A_157 = arith.addf %get3A_151, %get3A_151 : vector<16xf32>
      %sub3A_158 = arith.subf %add3A_156, %add3A_157 : vector<16xf32>
      %add3A_159 = arith.constant 9.99999993E-9 : f32
      %add3A_160 = vector.broadcast %add3A_159 : f32 to vector<16xf32>
      %add3A_161 = arith.addf %sub3A_158, %add3A_160 : vector<16xf32>
      %div3A_162 = arith.divf %sub3A_155, %add3A_161 : vector<16xf32>
      %lt3A_163 = arith.cmpf olt, %get3A_151, %get3A_154 : vector<16xf32>
      %lt3A_164 = arith.cmpf olt, %get3A_151, %broadcast_in_dim3A_32 : vector<16xf32>
      %jit3A_165 = arith.constant 0.000000e+00 : f32
      %broadcast_in_dim3A_166 = vector.broadcast %jit3A_165 : f32 to vector<16xf32>
      %select_n3A_167 = arith.select %lt3A_163, %div3A_162, %broadcast_in_dim3A_166 : vector<16xi1>, vector<16xf32>
      %jit3A_168 = arith.constant 1.000000e+00 : f32
      %broadcast_in_dim3A_169 = vector.broadcast %jit3A_168 : f32 to vector<16xf32>
      %select_n3A_170 = arith.select %lt3A_164, %select_n3A_167, %broadcast_in_dim3A_169 : vector<16xi1>, vector<16xf32>
      %sub3A_171 = arith.subf %get3A_151, %get3A_154 : vector<16xf32>
      %mul3A_172 = arith.mulf %select_n3A_170, %sub3A_171 : vector<16xf32>
      %add3A_173 = arith.addf %get3A_154, %mul3A_172 : vector<16xf32>
      %select_n3A_174 = arith.select %lt3A_163, %add3A_173, %get3A_154 : vector<16xi1>, vector<16xf32>
      %select_n3A_175 = arith.select %lt3A_164, %select_n3A_174, %broadcast_in_dim3A_32 : vector<16xi1>, vector<16xf32>
      %gt3A_176 = arith.cmpi sgt, %add3A_142, %broadcast_in_dim3A_29 : vector<16xi32>
      %jit3A_177 = arith.constant 0x7F800000 : f32
      %broadcast_in_dim3A_178 = vector.broadcast %jit3A_177 : f32 to vector<16xf32>
      %select_n3A_179 = arith.select %gt3A_176, %select_n3A_175, %broadcast_in_dim3A_178 : vector<16xi1>, vector<16xf32>
      %lt3A_180 = arith.cmpf olt, %select_n3A_179, %select_n3A_136 : vector<16xf32>
      %select_n3A_181 = arith.select %lt3A_180, %select_n3A_179, %select_n3A_136 : vector<16xi1>, vector<16xf32>
      %select_n3A_182 = arith.select %lt3A_180, %add3A_148, %select_n3A_137 : vector<16xi1>, vector<16xi32>
      %select_n3A_183 = arith.select %lt3A_180, %select_n3A_170, %select_n3A_138 : vector<16xi1>, vector<16xf32>
      %add3A_184 = arith.constant 48 : i32
      %add3A_185 = arith.addi %mul3A_50, %add3A_184 : i32
      %add3A_186 = vector.broadcast %add3A_185 : i32 to vector<16xi32>
      %add3A_187 = arith.addi %iota3A, %add3A_186 : vector<16xi32>
      %add3A_188 = arith.constant 48 : i32
      %add3A_189 = arith.addi %mul3A_50, %add3A_188 : i32
      %mul3A_190 = arith.constant 4096 : i32
      %mul3A_191 = vector.broadcast %mul3A_190 : i32 to vector<16xi32>
      %mul3A_192 = arith.muli %broadcast_in_dim3A_29, %mul3A_191 : vector<16xi32>
      %add3A_193 = arith.addi %mul3A_192, %add3A_187 : vector<16xi32>
      %get3A_194 = arith.index_cast %add3A_189 : i32 to index
      %get3A_195 = tpu.vector_load %arg6[%get3A_194] {strides = array<i32>} : memref<4096xf32, #tpu.memory_space<vmem>>, vector<16xf32>,
      %get3A_196 = vector.shape_cast %get3A_195 : vector<16xf32> to vector<16xf32>
      %get3A_197 = arith.index_cast %add3A_189 : i32 to index
      %get3A_198 = tpu.vector_load %arg5[%get3A_197] {strides = array<i32>} : memref<4112xf32, #tpu.memory_space<vmem>>, vector<16xf32>,
      %get3A_199 = vector.shape_cast %get3A_198 : vector<16xf32> to vector<16xf32>
      %sub3A_200 = arith.subf %get3A_199, %get3A_196 : vector<16xf32>
      %add3A_201 = arith.addf %broadcast_in_dim3A_32, %get3A_199 : vector<16xf32>
      %add3A_202 = arith.addf %get3A_196, %get3A_196 : vector<16xf32>
      %sub3A_203 = arith.subf %add3A_201, %add3A_202 : vector<16xf32>
      %add3A_204 = arith.constant 9.99999993E-9 : f32
      %add3A_205 = vector.broadcast %add3A_204 : f32 to vector<16xf32>
      %add3A_206 = arith.addf %sub3A_203, %add3A_205 : vector<16xf32>
      %div3A_207 = arith.divf %sub3A_200, %add3A_206 : vector<16xf32>
      %lt3A_208 = arith.cmpf olt, %get3A_196, %get3A_199 : vector<16xf32>
      %lt3A_209 = arith.cmpf olt, %get3A_196, %broadcast_in_dim3A_32 : vector<16xf32>
      %jit3A_210 = arith.constant 0.000000e+00 : f32
      %broadcast_in_dim3A_211 = vector.broadcast %jit3A_210 : f32 to vector<16xf32>
      %select_n3A_212 = arith.select %lt3A_208, %div3A_207, %broadcast_in_dim3A_211 : vector<16xi1>, vector<16xf32>
      %jit3A_213 = arith.constant 1.000000e+00 : f32
      %broadcast_in_dim3A_214 = vector.broadcast %jit3A_213 : f32 to vector<16xf32>
      %select_n3A_215 = arith.select %lt3A_209, %select_n3A_212, %broadcast_in_dim3A_214 : vector<16xi1>, vector<16xf32>
      %sub3A_216 = arith.subf %get3A_196, %get3A_199 : vector<16xf32>
      %mul3A_217 = arith.mulf %select_n3A_215, %sub3A_216 : vector<16xf32>
      %add3A_218 = arith.addf %get3A_199, %mul3A_217 : vector<16xf32>
      %select_n3A_219 = arith.select %lt3A_208, %add3A_218, %get3A_199 : vector<16xi1>, vector<16xf32>
      %select_n3A_220 = arith.select %lt3A_209, %select_n3A_219, %broadcast_in_dim3A_32 : vector<16xi1>, vector<16xf32>
      %gt3A_221 = arith.cmpi sgt, %add3A_187, %broadcast_in_dim3A_29 : vector<16xi32>
      %jit3A_222 = arith.constant 0x7F800000 : f32
      %broadcast_in_dim3A_223 = vector.broadcast %jit3A_222 : f32 to vector<16xf32>
      %select_n3A_224 = arith.select %gt3A_221, %select_n3A_220, %broadcast_in_dim3A_223 : vector<16xi1>, vector<16xf32>
      %lt3A_225 = arith.cmpf olt, %select_n3A_224, %select_n3A_181 : vector<16xf32>
      %select_n3A_226 = arith.select %lt3A_225, %select_n3A_224, %select_n3A_181 : vector<16xi1>, vector<16xf32>
      %select_n3A_227 = arith.select %lt3A_225, %add3A_193, %select_n3A_182 : vector<16xi1>, vector<16xi32>
      %select_n3A_228 = arith.select %lt3A_225, %select_n3A_215, %select_n3A_183 : vector<16xi1>, vector<16xf32>
      %mul3A_229 = arith.constant 4096 : i32
      %mul3A_230 = vector.broadcast %mul3A_229 : i32 to vector<16xi32>
      %mul3A_231 = arith.muli %broadcast_in_dim3A_29, %mul3A_230 : vector<16xi32>
      %add3A_232 = arith.addi %mul3A_231, %iota3A : vector<16xi32>
      %add3A_233 = arith.constant 64 : i32
      %add3A_234 = arith.addi %mul3A_50, %add3A_233 : i32
      %add3A_235 = vector.broadcast %add3A_234 : i32 to vector<16xi32>
      %add3A_236 = arith.addi %add3A_232, %add3A_235 : vector<16xi32>
      %add3A_237 = arith.constant 1 : i32
      %add3A_238 = arith.addi %select_n3A, %add3A_237 : i32
      %while3A = arith.constant 64 : i32
      %while3A_239 = arith.subi %while3A, %add3A_238 : i32
      %while3A_240 = arith.addi %add3A_238, %while3A_239 : i32
      %while3A_241 = arith.constant 1 : i32
      %while3A_242 = arith.divsi %while3A_239, %while3A_241 : i32
      %while3A_243 = arith.muli %while3A_242, %while3A_241 : i32
      %while3A_244 = arith.addi %add3A_238, %while3A_243 : i32
      %while3A_245 = arith.constant 1 : i32
      %while3A_246:4 = scf.for %while3A_249 = %add3A_238 to %while3A_244 step %while3A_245 iter_args(%while3A_250 = %add3A_236, %while3A_251 = %select_n3A_226, %while3A_252 = %select_n3A_227, %while3A_253 = %select_n3A_228) -> (vector<16xi32>, vector<16xf32>, vector<16xi32>, vector<16xf32>)  : i32 {
        %mul3A_254 = arith.constant 64 : i32
        %mul3A_255 = arith.muli %while3A_249, %mul3A_254 : i32
        %add3A_256 = arith.constant 0 : i32
        %add3A_257 = arith.addi %mul3A_255, %add3A_256 : i32
        %add3A_258 = arith.constant 0 : i32
        %add3A_259 = vector.broadcast %add3A_258 : i32 to vector<16xi32>
        %add3A_260 = arith.addi %while3A_250, %add3A_259 : vector<16xi32>
        %get3A_261 = arith.index_cast %add3A_257 : i32 to index
        %get3A_262 = tpu.vector_load %arg6[%get3A_261] {strides = array<i32>} : memref<4096xf32, #tpu.memory_space<vmem>>, vector<16xf32>,
        %get3A_263 = vector.shape_cast %get3A_262 : vector<16xf32> to vector<16xf32>
        %get3A_264 = arith.index_cast %add3A_257 : i32 to index
        %get3A_265 = tpu.vector_load %arg5[%get3A_264] {strides = array<i32>} : memref<4112xf32, #tpu.memory_space<vmem>>, vector<16xf32>,
        %get3A_266 = vector.shape_cast %get3A_265 : vector<16xf32> to vector<16xf32>
        %sub3A_267 = arith.subf %get3A_266, %get3A_263 : vector<16xf32>
        %add3A_268 = arith.addf %broadcast_in_dim3A_32, %get3A_266 : vector<16xf32>
        %add3A_269 = arith.addf %get3A_263, %get3A_263 : vector<16xf32>
        %sub3A_270 = arith.subf %add3A_268, %add3A_269 : vector<16xf32>
        %add3A_271 = arith.constant 9.99999993E-9 : f32
        %add3A_272 = vector.broadcast %add3A_271 : f32 to vector<16xf32>
        %add3A_273 = arith.addf %sub3A_270, %add3A_272 : vector<16xf32>
        %div3A_274 = arith.divf %sub3A_267, %add3A_273 : vector<16xf32>
        %lt3A_275 = arith.cmpf olt, %get3A_263, %get3A_266 : vector<16xf32>
        %lt3A_276 = arith.cmpf olt, %get3A_263, %broadcast_in_dim3A_32 : vector<16xf32>
        %jit3A_277 = arith.constant 0.000000e+00 : f32
        %broadcast_in_dim3A_278 = vector.broadcast %jit3A_277 : f32 to vector<16xf32>
        %select_n3A_279 = arith.select %lt3A_275, %div3A_274, %broadcast_in_dim3A_278 : vector<16xi1>, vector<16xf32>
        %jit3A_280 = arith.constant 1.000000e+00 : f32
        %broadcast_in_dim3A_281 = vector.broadcast %jit3A_280 : f32 to vector<16xf32>
        %select_n3A_282 = arith.select %lt3A_276, %select_n3A_279, %broadcast_in_dim3A_281 : vector<16xi1>, vector<16xf32>
        %sub3A_283 = arith.subf %get3A_263, %get3A_266 : vector<16xf32>
        %mul3A_284 = arith.mulf %select_n3A_282, %sub3A_283 : vector<16xf32>
        %add3A_285 = arith.addf %get3A_266, %mul3A_284 : vector<16xf32>
        %select_n3A_286 = arith.select %lt3A_275, %add3A_285, %get3A_266 : vector<16xi1>, vector<16xf32>
        %select_n3A_287 = arith.select %lt3A_276, %select_n3A_286, %broadcast_in_dim3A_32 : vector<16xi1>, vector<16xf32>
        %lt3A_288 = arith.cmpf olt, %select_n3A_287, %while3A_251 : vector<16xf32>
        %select_n3A_289 = arith.select %lt3A_288, %select_n3A_287, %while3A_251 : vector<16xi1>, vector<16xf32>
        %select_n3A_290 = arith.select %lt3A_288, %add3A_260, %while3A_252 : vector<16xi1>, vector<16xi32>
        %select_n3A_291 = arith.select %lt3A_288, %select_n3A_282, %while3A_253 : vector<16xi1>, vector<16xf32>
        %add3A_292 = arith.constant 16 : i32
        %add3A_293 = arith.addi %mul3A_255, %add3A_292 : i32
        %add3A_294 = arith.constant 16 : i32
        %add3A_295 = vector.broadcast %add3A_294 : i32 to vector<16xi32>
        %add3A_296 = arith.addi %while3A_250, %add3A_295 : vector<16xi32>
        %get3A_297 = arith.index_cast %add3A_293 : i32 to index
        %get3A_298 = tpu.vector_load %arg6[%get3A_297] {strides = array<i32>} : memref<4096xf32, #tpu.memory_space<vmem>>, vector<16xf32>,
        %get3A_299 = vector.shape_cast %get3A_298 : vector<16xf32> to vector<16xf32>
        %get3A_300 = arith.index_cast %add3A_293 : i32 to index
        %get3A_301 = tpu.vector_load %arg5[%get3A_300] {strides = array<i32>} : memref<4112xf32, #tpu.memory_space<vmem>>, vector<16xf32>,
        %get3A_302 = vector.shape_cast %get3A_301 : vector<16xf32> to vector<16xf32>
        %sub3A_303 = arith.subf %get3A_302, %get3A_299 : vector<16xf32>
        %add3A_304 = arith.addf %broadcast_in_dim3A_32, %get3A_302 : vector<16xf32>
        %add3A_305 = arith.addf %get3A_299, %get3A_299 : vector<16xf32>
        %sub3A_306 = arith.subf %add3A_304, %add3A_305 : vector<16xf32>
        %add3A_307 = arith.constant 9.99999993E-9 : f32
        %add3A_308 = vector.broadcast %add3A_307 : f32 to vector<16xf32>
        %add3A_309 = arith.addf %sub3A_306, %add3A_308 : vector<16xf32>
        %div3A_310 = arith.divf %sub3A_303, %add3A_309 : vector<16xf32>
        %lt3A_311 = arith.cmpf olt, %get3A_299, %get3A_302 : vector<16xf32>
        %lt3A_312 = arith.cmpf olt, %get3A_299, %broadcast_in_dim3A_32 : vector<16xf32>
        %jit3A_313 = arith.constant 0.000000e+00 : f32
        %broadcast_in_dim3A_314 = vector.broadcast %jit3A_313 : f32 to vector<16xf32>
        %select_n3A_315 = arith.select %lt3A_311, %div3A_310, %broadcast_in_dim3A_314 : vector<16xi1>, vector<16xf32>
        %jit3A_316 = arith.constant 1.000000e+00 : f32
        %broadcast_in_dim3A_317 = vector.broadcast %jit3A_316 : f32 to vector<16xf32>
        %select_n3A_318 = arith.select %lt3A_312, %select_n3A_315, %broadcast_in_dim3A_317 : vector<16xi1>, vector<16xf32>
        %sub3A_319 = arith.subf %get3A_299, %get3A_302 : vector<16xf32>
        %mul3A_320 = arith.mulf %select_n3A_318, %sub3A_319 : vector<16xf32>
        %add3A_321 = arith.addf %get3A_302, %mul3A_320 : vector<16xf32>
        %select_n3A_322 = arith.select %lt3A_311, %add3A_321, %get3A_302 : vector<16xi1>, vector<16xf32>
        %select_n3A_323 = arith.select %lt3A_312, %select_n3A_322, %broadcast_in_dim3A_32 : vector<16xi1>, vector<16xf32>
        %lt3A_324 = arith.cmpf olt, %select_n3A_323, %select_n3A_289 : vector<16xf32>
        %select_n3A_325 = arith.select %lt3A_324, %select_n3A_323, %select_n3A_289 : vector<16xi1>, vector<16xf32>
        %select_n3A_326 = arith.select %lt3A_324, %add3A_296, %select_n3A_290 : vector<16xi1>, vector<16xi32>
        %select_n3A_327 = arith.select %lt3A_324, %select_n3A_318, %select_n3A_291 : vector<16xi1>, vector<16xf32>
        %add3A_328 = arith.constant 32 : i32
        %add3A_329 = arith.addi %mul3A_255, %add3A_328 : i32
        %add3A_330 = arith.constant 32 : i32
        %add3A_331 = vector.broadcast %add3A_330 : i32 to vector<16xi32>
        %add3A_332 = arith.addi %while3A_250, %add3A_331 : vector<16xi32>
        %get3A_333 = arith.index_cast %add3A_329 : i32 to index
        %get3A_334 = tpu.vector_load %arg6[%get3A_333] {strides = array<i32>} : memref<4096xf32, #tpu.memory_space<vmem>>, vector<16xf32>,
        %get3A_335 = vector.shape_cast %get3A_334 : vector<16xf32> to vector<16xf32>
        %get3A_336 = arith.index_cast %add3A_329 : i32 to index
        %get3A_337 = tpu.vector_load %arg5[%get3A_336] {strides = array<i32>} : memref<4112xf32, #tpu.memory_space<vmem>>, vector<16xf32>,
        %get3A_338 = vector.shape_cast %get3A_337 : vector<16xf32> to vector<16xf32>
        %sub3A_339 = arith.subf %get3A_338, %get3A_335 : vector<16xf32>
        %add3A_340 = arith.addf %broadcast_in_dim3A_32, %get3A_338 : vector<16xf32>
        %add3A_341 = arith.addf %get3A_335, %get3A_335 : vector<16xf32>
        %sub3A_342 = arith.subf %add3A_340, %add3A_341 : vector<16xf32>
        %add3A_343 = arith.constant 9.99999993E-9 : f32
        %add3A_344 = vector.broadcast %add3A_343 : f32 to vector<16xf32>
        %add3A_345 = arith.addf %sub3A_342, %add3A_344 : vector<16xf32>
        %div3A_346 = arith.divf %sub3A_339, %add3A_345 : vector<16xf32>
        %lt3A_347 = arith.cmpf olt, %get3A_335, %get3A_338 : vector<16xf32>
        %lt3A_348 = arith.cmpf olt, %get3A_335, %broadcast_in_dim3A_32 : vector<16xf32>
        %jit3A_349 = arith.constant 0.000000e+00 : f32
        %broadcast_in_dim3A_350 = vector.broadcast %jit3A_349 : f32 to vector<16xf32>
        %select_n3A_351 = arith.select %lt3A_347, %div3A_346, %broadcast_in_dim3A_350 : vector<16xi1>, vector<16xf32>
        %jit3A_352 = arith.constant 1.000000e+00 : f32
        %broadcast_in_dim3A_353 = vector.broadcast %jit3A_352 : f32 to vector<16xf32>
        %select_n3A_354 = arith.select %lt3A_348, %select_n3A_351, %broadcast_in_dim3A_353 : vector<16xi1>, vector<16xf32>
        %sub3A_355 = arith.subf %get3A_335, %get3A_338 : vector<16xf32>
        %mul3A_356 = arith.mulf %select_n3A_354, %sub3A_355 : vector<16xf32>
        %add3A_357 = arith.addf %get3A_338, %mul3A_356 : vector<16xf32>
        %select_n3A_358 = arith.select %lt3A_347, %add3A_357, %get3A_338 : vector<16xi1>, vector<16xf32>
        %select_n3A_359 = arith.select %lt3A_348, %select_n3A_358, %broadcast_in_dim3A_32 : vector<16xi1>, vector<16xf32>
        %lt3A_360 = arith.cmpf olt, %select_n3A_359, %select_n3A_325 : vector<16xf32>
        %select_n3A_361 = arith.select %lt3A_360, %select_n3A_359, %select_n3A_325 : vector<16xi1>, vector<16xf32>
        %select_n3A_362 = arith.select %lt3A_360, %add3A_332, %select_n3A_326 : vector<16xi1>, vector<16xi32>
        %select_n3A_363 = arith.select %lt3A_360, %select_n3A_354, %select_n3A_327 : vector<16xi1>, vector<16xf32>
        %add3A_364 = arith.constant 48 : i32
        %add3A_365 = arith.addi %mul3A_255, %add3A_364 : i32
        %add3A_366 = arith.constant 48 : i32
        %add3A_367 = vector.broadcast %add3A_366 : i32 to vector<16xi32>
        %add3A_368 = arith.addi %while3A_250, %add3A_367 : vector<16xi32>
        %get3A_369 = arith.index_cast %add3A_365 : i32 to index
        %get3A_370 = tpu.vector_load %arg6[%get3A_369] {strides = array<i32>} : memref<4096xf32, #tpu.memory_space<vmem>>, vector<16xf32>,
        %get3A_371 = vector.shape_cast %get3A_370 : vector<16xf32> to vector<16xf32>
        %get3A_372 = arith.index_cast %add3A_365 : i32 to index
        %get3A_373 = tpu.vector_load %arg5[%get3A_372] {strides = array<i32>} : memref<4112xf32, #tpu.memory_space<vmem>>, vector<16xf32>,
        %get3A_374 = vector.shape_cast %get3A_373 : vector<16xf32> to vector<16xf32>
        %sub3A_375 = arith.subf %get3A_374, %get3A_371 : vector<16xf32>
        %add3A_376 = arith.addf %broadcast_in_dim3A_32, %get3A_374 : vector<16xf32>
        %add3A_377 = arith.addf %get3A_371, %get3A_371 : vector<16xf32>
        %sub3A_378 = arith.subf %add3A_376, %add3A_377 : vector<16xf32>
        %add3A_379 = arith.constant 9.99999993E-9 : f32
        %add3A_380 = vector.broadcast %add3A_379 : f32 to vector<16xf32>
        %add3A_381 = arith.addf %sub3A_378, %add3A_380 : vector<16xf32>
        %div3A_382 = arith.divf %sub3A_375, %add3A_381 : vector<16xf32>
        %lt3A_383 = arith.cmpf olt, %get3A_371, %get3A_374 : vector<16xf32>
        %lt3A_384 = arith.cmpf olt, %get3A_371, %broadcast_in_dim3A_32 : vector<16xf32>
        %jit3A_385 = arith.constant 0.000000e+00 : f32
        %broadcast_in_dim3A_386 = vector.broadcast %jit3A_385 : f32 to vector<16xf32>
        %select_n3A_387 = arith.select %lt3A_383, %div3A_382, %broadcast_in_dim3A_386 : vector<16xi1>, vector<16xf32>
        %jit3A_388 = arith.constant 1.000000e+00 : f32
        %broadcast_in_dim3A_389 = vector.broadcast %jit3A_388 : f32 to vector<16xf32>
        %select_n3A_390 = arith.select %lt3A_384, %select_n3A_387, %broadcast_in_dim3A_389 : vector<16xi1>, vector<16xf32>
        %sub3A_391 = arith.subf %get3A_371, %get3A_374 : vector<16xf32>
        %mul3A_392 = arith.mulf %select_n3A_390, %sub3A_391 : vector<16xf32>
        %add3A_393 = arith.addf %get3A_374, %mul3A_392 : vector<16xf32>
        %select_n3A_394 = arith.select %lt3A_383, %add3A_393, %get3A_374 : vector<16xi1>, vector<16xf32>
        %select_n3A_395 = arith.select %lt3A_384, %select_n3A_394, %broadcast_in_dim3A_32 : vector<16xi1>, vector<16xf32>
        %lt3A_396 = arith.cmpf olt, %select_n3A_395, %select_n3A_361 : vector<16xf32>
        %select_n3A_397 = arith.select %lt3A_396, %select_n3A_395, %select_n3A_361 : vector<16xi1>, vector<16xf32>
        %select_n3A_398 = arith.select %lt3A_396, %add3A_368, %select_n3A_362 : vector<16xi1>, vector<16xi32>
        %select_n3A_399 = arith.select %lt3A_396, %select_n3A_390, %select_n3A_363 : vector<16xi1>, vector<16xf32>
        %add3A_400 = arith.constant 64 : i32
        %add3A_401 = vector.broadcast %add3A_400 : i32 to vector<16xi32>
        %add3A_402 = arith.addi %while3A_250, %add3A_401 : vector<16xi32>
        scf.yield %add3A_402, %select_n3A_397, %select_n3A_398, %select_n3A_399 : vector<16xi32>, vector<16xf32>, vector<16xi32>, vector<16xf32>
      }
      %while3A_247 = arith.constant 1 : i32
      %while3A_248:4 = scf.for %while3A_249 = %while3A_244 to %while3A_240 step %while3A_247 iter_args(%while3A_250 = %while3A_246#0, %while3A_251 = %while3A_246#1, %while3A_252 = %while3A_246#2, %while3A_253 = %while3A_246#3) -> (vector<16xi32>, vector<16xf32>, vector<16xi32>, vector<16xf32>)  : i32 {
        %mul3A_254 = arith.constant 64 : i32
        %mul3A_255 = arith.muli %while3A_249, %mul3A_254 : i32
        %add3A_256 = arith.constant 0 : i32
        %add3A_257 = arith.addi %mul3A_255, %add3A_256 : i32
        %add3A_258 = arith.constant 0 : i32
        %add3A_259 = vector.broadcast %add3A_258 : i32 to vector<16xi32>
        %add3A_260 = arith.addi %while3A_250, %add3A_259 : vector<16xi32>
        %get3A_261 = arith.index_cast %add3A_257 : i32 to index
        %get3A_262 = tpu.vector_load %arg6[%get3A_261] {strides = array<i32>} : memref<4096xf32, #tpu.memory_space<vmem>>, vector<16xf32>,
        %get3A_263 = vector.shape_cast %get3A_262 : vector<16xf32> to vector<16xf32>
        %get3A_264 = arith.index_cast %add3A_257 : i32 to index
        %get3A_265 = tpu.vector_load %arg5[%get3A_264] {strides = array<i32>} : memref<4112xf32, #tpu.memory_space<vmem>>, vector<16xf32>,
        %get3A_266 = vector.shape_cast %get3A_265 : vector<16xf32> to vector<16xf32>
        %sub3A_267 = arith.subf %get3A_266, %get3A_263 : vector<16xf32>
        %add3A_268 = arith.addf %broadcast_in_dim3A_32, %get3A_266 : vector<16xf32>
        %add3A_269 = arith.addf %get3A_263, %get3A_263 : vector<16xf32>
        %sub3A_270 = arith.subf %add3A_268, %add3A_269 : vector<16xf32>
        %add3A_271 = arith.constant 9.99999993E-9 : f32
        %add3A_272 = vector.broadcast %add3A_271 : f32 to vector<16xf32>
        %add3A_273 = arith.addf %sub3A_270, %add3A_272 : vector<16xf32>
        %div3A_274 = arith.divf %sub3A_267, %add3A_273 : vector<16xf32>
        %lt3A_275 = arith.cmpf olt, %get3A_263, %get3A_266 : vector<16xf32>
        %lt3A_276 = arith.cmpf olt, %get3A_263, %broadcast_in_dim3A_32 : vector<16xf32>
        %jit3A_277 = arith.constant 0.000000e+00 : f32
        %broadcast_in_dim3A_278 = vector.broadcast %jit3A_277 : f32 to vector<16xf32>
        %select_n3A_279 = arith.select %lt3A_275, %div3A_274, %broadcast_in_dim3A_278 : vector<16xi1>, vector<16xf32>
        %jit3A_280 = arith.constant 1.000000e+00 : f32
        %broadcast_in_dim3A_281 = vector.broadcast %jit3A_280 : f32 to vector<16xf32>
        %select_n3A_282 = arith.select %lt3A_276, %select_n3A_279, %broadcast_in_dim3A_281 : vector<16xi1>, vector<16xf32>
        %sub3A_283 = arith.subf %get3A_263, %get3A_266 : vector<16xf32>
        %mul3A_284 = arith.mulf %select_n3A_282, %sub3A_283 : vector<16xf32>
        %add3A_285 = arith.addf %get3A_266, %mul3A_284 : vector<16xf32>
        %select_n3A_286 = arith.select %lt3A_275, %add3A_285, %get3A_266 : vector<16xi1>, vector<16xf32>
        %select_n3A_287 = arith.select %lt3A_276, %select_n3A_286, %broadcast_in_dim3A_32 : vector<16xi1>, vector<16xf32>
        %lt3A_288 = arith.cmpf olt, %select_n3A_287, %while3A_251 : vector<16xf32>
        %select_n3A_289 = arith.select %lt3A_288, %select_n3A_287, %while3A_251 : vector<16xi1>, vector<16xf32>
        %select_n3A_290 = arith.select %lt3A_288, %add3A_260, %while3A_252 : vector<16xi1>, vector<16xi32>
        %select_n3A_291 = arith.select %lt3A_288, %select_n3A_282, %while3A_253 : vector<16xi1>, vector<16xf32>
        %add3A_292 = arith.constant 16 : i32
        %add3A_293 = arith.addi %mul3A_255, %add3A_292 : i32
        %add3A_294 = arith.constant 16 : i32
        %add3A_295 = vector.broadcast %add3A_294 : i32 to vector<16xi32>
        %add3A_296 = arith.addi %while3A_250, %add3A_295 : vector<16xi32>
        %get3A_297 = arith.index_cast %add3A_293 : i32 to index
        %get3A_298 = tpu.vector_load %arg6[%get3A_297] {strides = array<i32>} : memref<4096xf32, #tpu.memory_space<vmem>>, vector<16xf32>,
        %get3A_299 = vector.shape_cast %get3A_298 : vector<16xf32> to vector<16xf32>
        %get3A_300 = arith.index_cast %add3A_293 : i32 to index
        %get3A_301 = tpu.vector_load %arg5[%get3A_300] {strides = array<i32>} : memref<4112xf32, #tpu.memory_space<vmem>>, vector<16xf32>,
        %get3A_302 = vector.shape_cast %get3A_301 : vector<16xf32> to vector<16xf32>
        %sub3A_303 = arith.subf %get3A_302, %get3A_299 : vector<16xf32>
        %add3A_304 = arith.addf %broadcast_in_dim3A_32, %get3A_302 : vector<16xf32>
        %add3A_305 = arith.addf %get3A_299, %get3A_299 : vector<16xf32>
        %sub3A_306 = arith.subf %add3A_304, %add3A_305 : vector<16xf32>
        %add3A_307 = arith.constant 9.99999993E-9 : f32
        %add3A_308 = vector.broadcast %add3A_307 : f32 to vector<16xf32>
        %add3A_309 = arith.addf %sub3A_306, %add3A_308 : vector<16xf32>
        %div3A_310 = arith.divf %sub3A_303, %add3A_309 : vector<16xf32>
        %lt3A_311 = arith.cmpf olt, %get3A_299, %get3A_302 : vector<16xf32>
        %lt3A_312 = arith.cmpf olt, %get3A_299, %broadcast_in_dim3A_32 : vector<16xf32>
        %jit3A_313 = arith.constant 0.000000e+00 : f32
        %broadcast_in_dim3A_314 = vector.broadcast %jit3A_313 : f32 to vector<16xf32>
        %select_n3A_315 = arith.select %lt3A_311, %div3A_310, %broadcast_in_dim3A_314 : vector<16xi1>, vector<16xf32>
        %jit3A_316 = arith.constant 1.000000e+00 : f32
        %broadcast_in_dim3A_317 = vector.broadcast %jit3A_316 : f32 to vector<16xf32>
        %select_n3A_318 = arith.select %lt3A_312, %select_n3A_315, %broadcast_in_dim3A_317 : vector<16xi1>, vector<16xf32>
        %sub3A_319 = arith.subf %get3A_299, %get3A_302 : vector<16xf32>
        %mul3A_320 = arith.mulf %select_n3A_318, %sub3A_319 : vector<16xf32>
        %add3A_321 = arith.addf %get3A_302, %mul3A_320 : vector<16xf32>
        %select_n3A_322 = arith.select %lt3A_311, %add3A_321, %get3A_302 : vector<16xi1>, vector<16xf32>
        %select_n3A_323 = arith.select %lt3A_312, %select_n3A_322, %broadcast_in_dim3A_32 : vector<16xi1>, vector<16xf32>
        %lt3A_324 = arith.cmpf olt, %select_n3A_323, %select_n3A_289 : vector<16xf32>
        %select_n3A_325 = arith.select %lt3A_324, %select_n3A_323, %select_n3A_289 : vector<16xi1>, vector<16xf32>
        %select_n3A_326 = arith.select %lt3A_324, %add3A_296, %select_n3A_290 : vector<16xi1>, vector<16xi32>
        %select_n3A_327 = arith.select %lt3A_324, %select_n3A_318, %select_n3A_291 : vector<16xi1>, vector<16xf32>
        %add3A_328 = arith.constant 32 : i32
        %add3A_329 = arith.addi %mul3A_255, %add3A_328 : i32
        %add3A_330 = arith.constant 32 : i32
        %add3A_331 = vector.broadcast %add3A_330 : i32 to vector<16xi32>
        %add3A_332 = arith.addi %while3A_250, %add3A_331 : vector<16xi32>
        %get3A_333 = arith.index_cast %add3A_329 : i32 to index
        %get3A_334 = tpu.vector_load %arg6[%get3A_333] {strides = array<i32>} : memref<4096xf32, #tpu.memory_space<vmem>>, vector<16xf32>,
        %get3A_335 = vector.shape_cast %get3A_334 : vector<16xf32> to vector<16xf32>
        %get3A_336 = arith.index_cast %add3A_329 : i32 to index
        %get3A_337 = tpu.vector_load %arg5[%get3A_336] {strides = array<i32>} : memref<4112xf32, #tpu.memory_space<vmem>>, vector<16xf32>,
        %get3A_338 = vector.shape_cast %get3A_337 : vector<16xf32> to vector<16xf32>
        %sub3A_339 = arith.subf %get3A_338, %get3A_335 : vector<16xf32>
        %add3A_340 = arith.addf %broadcast_in_dim3A_32, %get3A_338 : vector<16xf32>
        %add3A_341 = arith.addf %get3A_335, %get3A_335 : vector<16xf32>
        %sub3A_342 = arith.subf %add3A_340, %add3A_341 : vector<16xf32>
        %add3A_343 = arith.constant 9.99999993E-9 : f32
        %add3A_344 = vector.broadcast %add3A_343 : f32 to vector<16xf32>
        %add3A_345 = arith.addf %sub3A_342, %add3A_344 : vector<16xf32>
        %div3A_346 = arith.divf %sub3A_339, %add3A_345 : vector<16xf32>
        %lt3A_347 = arith.cmpf olt, %get3A_335, %get3A_338 : vector<16xf32>
        %lt3A_348 = arith.cmpf olt, %get3A_335, %broadcast_in_dim3A_32 : vector<16xf32>
        %jit3A_349 = arith.constant 0.000000e+00 : f32
        %broadcast_in_dim3A_350 = vector.broadcast %jit3A_349 : f32 to vector<16xf32>
        %select_n3A_351 = arith.select %lt3A_347, %div3A_346, %broadcast_in_dim3A_350 : vector<16xi1>, vector<16xf32>
        %jit3A_352 = arith.constant 1.000000e+00 : f32
        %broadcast_in_dim3A_353 = vector.broadcast %jit3A_352 : f32 to vector<16xf32>
        %select_n3A_354 = arith.select %lt3A_348, %select_n3A_351, %broadcast_in_dim3A_353 : vector<16xi1>, vector<16xf32>
        %sub3A_355 = arith.subf %get3A_335, %get3A_338 : vector<16xf32>
        %mul3A_356 = arith.mulf %select_n3A_354, %sub3A_355 : vector<16xf32>
        %add3A_357 = arith.addf %get3A_338, %mul3A_356 : vector<16xf32>
        %select_n3A_358 = arith.select %lt3A_347, %add3A_357, %get3A_338 : vector<16xi1>, vector<16xf32>
        %select_n3A_359 = arith.select %lt3A_348, %select_n3A_358, %broadcast_in_dim3A_32 : vector<16xi1>, vector<16xf32>
        %lt3A_360 = arith.cmpf olt, %select_n3A_359, %select_n3A_325 : vector<16xf32>
        %select_n3A_361 = arith.select %lt3A_360, %select_n3A_359, %select_n3A_325 : vector<16xi1>, vector<16xf32>
        %select_n3A_362 = arith.select %lt3A_360, %add3A_332, %select_n3A_326 : vector<16xi1>, vector<16xi32>
        %select_n3A_363 = arith.select %lt3A_360, %select_n3A_354, %select_n3A_327 : vector<16xi1>, vector<16xf32>
        %add3A_364 = arith.constant 48 : i32
        %add3A_365 = arith.addi %mul3A_255, %add3A_364 : i32
        %add3A_366 = arith.constant 48 : i32
        %add3A_367 = vector.broadcast %add3A_366 : i32 to vector<16xi32>
        %add3A_368 = arith.addi %while3A_250, %add3A_367 : vector<16xi32>
        %get3A_369 = arith.index_cast %add3A_365 : i32 to index
        %get3A_370 = tpu.vector_load %arg6[%get3A_369] {strides = array<i32>} : memref<4096xf32, #tpu.memory_space<vmem>>, vector<16xf32>,
        %get3A_371 = vector.shape_cast %get3A_370 : vector<16xf32> to vector<16xf32>
        %get3A_372 = arith.index_cast %add3A_365 : i32 to index
        %get3A_373 = tpu.vector_load %arg5[%get3A_372] {strides = array<i32>} : memref<4112xf32, #tpu.memory_space<vmem>>, vector<16xf32>,
        %get3A_374 = vector.shape_cast %get3A_373 : vector<16xf32> to vector<16xf32>
        %sub3A_375 = arith.subf %get3A_374, %get3A_371 : vector<16xf32>
        %add3A_376 = arith.addf %broadcast_in_dim3A_32, %get3A_374 : vector<16xf32>
        %add3A_377 = arith.addf %get3A_371, %get3A_371 : vector<16xf32>
        %sub3A_378 = arith.subf %add3A_376, %add3A_377 : vector<16xf32>
        %add3A_379 = arith.constant 9.99999993E-9 : f32
        %add3A_380 = vector.broadcast %add3A_379 : f32 to vector<16xf32>
        %add3A_381 = arith.addf %sub3A_378, %add3A_380 : vector<16xf32>
        %div3A_382 = arith.divf %sub3A_375, %add3A_381 : vector<16xf32>
        %lt3A_383 = arith.cmpf olt, %get3A_371, %get3A_374 : vector<16xf32>
        %lt3A_384 = arith.cmpf olt, %get3A_371, %broadcast_in_dim3A_32 : vector<16xf32>
        %jit3A_385 = arith.constant 0.000000e+00 : f32
        %broadcast_in_dim3A_386 = vector.broadcast %jit3A_385 : f32 to vector<16xf32>
        %select_n3A_387 = arith.select %lt3A_383, %div3A_382, %broadcast_in_dim3A_386 : vector<16xi1>, vector<16xf32>
        %jit3A_388 = arith.constant 1.000000e+00 : f32
        %broadcast_in_dim3A_389 = vector.broadcast %jit3A_388 : f32 to vector<16xf32>
        %select_n3A_390 = arith.select %lt3A_384, %select_n3A_387, %broadcast_in_dim3A_389 : vector<16xi1>, vector<16xf32>
        %sub3A_391 = arith.subf %get3A_371, %get3A_374 : vector<16xf32>
        %mul3A_392 = arith.mulf %select_n3A_390, %sub3A_391 : vector<16xf32>
        %add3A_393 = arith.addf %get3A_374, %mul3A_392 : vector<16xf32>
        %select_n3A_394 = arith.select %lt3A_383, %add3A_393, %get3A_374 : vector<16xi1>, vector<16xf32>
        %select_n3A_395 = arith.select %lt3A_384, %select_n3A_394, %broadcast_in_dim3A_32 : vector<16xi1>, vector<16xf32>
        %lt3A_396 = arith.cmpf olt, %select_n3A_395, %select_n3A_361 : vector<16xf32>
        %select_n3A_397 = arith.select %lt3A_396, %select_n3A_395, %select_n3A_361 : vector<16xi1>, vector<16xf32>
        %select_n3A_398 = arith.select %lt3A_396, %add3A_368, %select_n3A_362 : vector<16xi1>, vector<16xi32>
        %select_n3A_399 = arith.select %lt3A_396, %select_n3A_390, %select_n3A_363 : vector<16xi1>, vector<16xf32>
        %add3A_400 = arith.constant 64 : i32
        %add3A_401 = vector.broadcast %add3A_400 : i32 to vector<16xi32>
        %add3A_402 = arith.addi %while3A_250, %add3A_401 : vector<16xi32>
        scf.yield %add3A_402, %select_n3A_397, %select_n3A_398, %select_n3A_399 : vector<16xi32>, vector<16xf32>, vector<16xi32>, vector<16xf32>
      }
      scf.yield %while3A_248#1, %while3A_248#2, %while3A_248#3 : vector<16xf32>, vector<16xi32>, vector<16xf32>
    }
    %scan3A_10 = arith.constant 128 : i32
    %swap3A = arith.constant 0 : index
    %swap3A_11 = tpu.vector_load %arg7[%swap3A] {strides = array<i32>} : memref<48xf32, #tpu.memory_space<vmem>>, vector<16xf32>,
    %swap3A_12 = vector.shape_cast %swap3A_11 : vector<16xf32> to vector<16xf32>
    %swap3A_13 = vector.shape_cast %scan3A_9#0 : vector<16xf32> to vector<16xf32>
    tpu.vector_store %arg7[%swap3A], %swap3A_13 {strides = array<i32>} : memref<48xf32, #tpu.memory_space<vmem>>, vector<16xf32>,
    %bitcast_convert_type3A = tpu.bitcast %scan3A_9#1 : vector<16xi32> -> vector<16xf32>
    %swap3A_14 = arith.constant 16 : index
    %swap3A_15 = tpu.vector_load %arg7[%swap3A_14] {strides = array<i32>} : memref<48xf32, #tpu.memory_space<vmem>>, vector<16xf32>,
    %swap3A_16 = vector.shape_cast %swap3A_15 : vector<16xf32> to vector<16xf32>
    %swap3A_17 = vector.shape_cast %bitcast_convert_type3A : vector<16xf32> to vector<16xf32>
    tpu.vector_store %arg7[%swap3A_14], %swap3A_17 {strides = array<i32>} : memref<48xf32, #tpu.memory_space<vmem>>, vector<16xf32>,
    %swap3A_18 = arith.constant 32 : index
    %swap3A_19 = tpu.vector_load %arg7[%swap3A_18] {strides = array<i32>} : memref<48xf32, #tpu.memory_space<vmem>>, vector<16xf32>,
    %swap3A_20 = vector.shape_cast %swap3A_19 : vector<16xf32> to vector<16xf32>
    %swap3A_21 = vector.shape_cast %scan3A_9#2 : vector<16xf32> to vector<16xf32>
    tpu.vector_store %arg7[%swap3A_18], %swap3A_21 {strides = array<i32>} : memref<48xf32, #tpu.memory_space<vmem>>, vector<16xf32>,
    "tpu.region"() ({
      %run_scoped3A = tpu.sem_alloc : memref<!tpu.dma_semaphore, #tpu.memory_space<semaphore_mem>>
      %dma_start3A = arith.constant 0 : i32
      %dma_start3A_22 = tpu.memref_slice %arg4[%add3A, %dma_start3A] : memref<32x48xf32, #tpu.memory_space<hbm>> -> memref<1x48xf32, #tpu.memory_space<hbm>>
      %dma_start3A_23 = tpu.memref_squeeze %dma_start3A_22 : memref<1x48xf32, #tpu.memory_space<hbm>> -> memref<48xf32, #tpu.memory_space<hbm>>
      %dma_start3A_24 = arith.constant 0 : i32
      %dma_start3A_25 = tpu.memref_slice %arg4[%add3A, %dma_start3A_24] : memref<32x48xf32, #tpu.memory_space<hbm>> -> memref<1x48xf32, #tpu.memory_space<hbm>>
      %dma_start3A_26 = tpu.memref_squeeze %dma_start3A_25 : memref<1x48xf32, #tpu.memory_space<hbm>> -> memref<48xf32, #tpu.memory_space<hbm>>
      tpu.enqueue_dma source(%arg7 : memref<48xf32, #tpu.memory_space<vmem>>) target(%dma_start3A_26 : memref<48xf32, #tpu.memory_space<hbm>>) target_semaphore(%run_scoped3A : memref<!tpu.dma_semaphore, #tpu.memory_space<semaphore_mem>>)
      %dma_wait3A = arith.constant 0 : i32
      %dma_wait3A_27 = tpu.memref_slice %arg4[%add3A, %dma_wait3A] : memref<32x48xf32, #tpu.memory_space<hbm>> -> memref<1x48xf32, #tpu.memory_space<hbm>>
      %dma_wait3A_28 = tpu.memref_squeeze %dma_wait3A_27 : memref<1x48xf32, #tpu.memory_space<hbm>> -> memref<48xf32, #tpu.memory_space<hbm>>
      %dma_wait3A_29 = arith.constant 0 : i32
      %dma_wait3A_30 = tpu.memref_slice %arg4[%add3A, %dma_wait3A_29] : memref<32x48xf32, #tpu.memory_space<hbm>> -> memref<1x48xf32, #tpu.memory_space<hbm>>
      %dma_wait3A_31 = tpu.memref_squeeze %dma_wait3A_30 : memref<1x48xf32, #tpu.memory_space<hbm>> -> memref<48xf32, #tpu.memory_space<hbm>>
      tpu.wait_dma2 semaphore(%run_scoped3A : memref<!tpu.dma_semaphore, #tpu.memory_space<semaphore_mem>>) src(%arg7 : memref<48xf32, #tpu.memory_space<vmem>>) dst(%dma_wait3A_31 : memref<48xf32, #tpu.memory_space<hbm>>)
      tpu.yield
    }) : () -> ()
    return
  }
}

module attributes {stable_mosaic.version = 14 : i64} {
  func.func @_diag_body(%arg0: i32, %arg1: memref<128x128xf32, #tpu.memory_space<vmem>>, %arg2: memref<1x128xf32, #tpu.memory_space<vmem>>) attributes {dimension_semantics = [#tpu.dimension_semantics<arbitrary>], iteration_bounds = array<i64: 32>, scalar_prefetch = 0 : i64, scratch_operands = 0 : i64, tpu.core_type = #tpu.core_type<tc>, window_params = [{transform_indices = @transform_0, window_bounds = array<i64: 128, 128>}, {transform_indices = @transform_1, window_bounds = array<i64: 1, 128>}]} {
    %get3A = arith.constant 0 : index
    %get3A_0 = arith.constant 0 : index
    %get3A_1 = vector.load %arg1[%get3A, %get3A_0] : memref<128x128xf32, #tpu.memory_space<vmem>>, vector<128x128xf32>
    %iota3A = tpu.iota {dimensions = array<i32: 0>} : vector<128x128xi32>
    %iota3A_2 = tpu.iota {dimensions = array<i32: 1>} : vector<128x128xi32>
    %eq3A = arith.cmpi eq, %iota3A, %iota3A_2 : vector<128x128xi32>
    %jit3A = arith.constant 0.000000e+00 : f32
    %broadcast_in_dim3A = vector.broadcast %jit3A : f32 to vector<128x128xf32>
    %select_n3A = arith.select %eq3A, %get3A_1, %broadcast_in_dim3A : vector<128x128xi1>, vector<128x128xf32>
    %reduce_sum3A = arith.constant dense<0.000000e+00> : vector<128xf32>
    %reduce_sum3A_3 = vector.multi_reduction <add>, %select_n3A, %reduce_sum3A [0] : vector<128x128xf32> to vector<128xf32>
    %swap3A = arith.constant 0 : index
    %swap3A_4 = arith.constant 0 : index
    %swap3A_5 = vector.load %arg2[%swap3A, %swap3A_4] : memref<1x128xf32, #tpu.memory_space<vmem>>, vector<1x128xf32>
    %swap3A_6 = vector.shape_cast %swap3A_5 : vector<1x128xf32> to vector<128xf32>
    %swap3A_7 = vector.shape_cast %reduce_sum3A_3 : vector<128xf32> to vector<1x128xf32>
    tpu.vector_store %arg2[%swap3A, %swap3A_4], %swap3A_7 {strides = array<i32>} : memref<1x128xf32, #tpu.memory_space<vmem>>, vector<1x128xf32>,
    return
  }
  func.func @transform_0(%arg0: i32) -> (i32, i32) {
    %c0_i32 = arith.constant 0 : i32
    return %arg0, %arg0 : i32, i32
  }
  func.func @transform_1(%arg0: i32) -> (i32, i32) {
    %c0_i32 = arith.constant 0 : i32
    %c0_i32_0 = arith.constant 0 : i32
    return %c0_i32, %arg0 : i32, i32
  }
}

module attributes {stable_mosaic.version = 14 : i64} {
  func.func @_merge_body(%arg0: memref<32x48xf32, #tpu.memory_space<vmem>>, %arg1: memref<1x4096xf32, #tpu.memory_space<vmem>>) attributes {dimension_semantics = [], scalar_prefetch = 0 : i64, scratch_operands = 0 : i64, tpu.core_type = #tpu.core_type<tc>} {
    %get3A = arith.constant 0 : index
    %get3A_0 = arith.constant 0 : index
    %get3A_1 = vector.load %arg0[%get3A, %get3A_0] : memref<32x48xf32, #tpu.memory_space<vmem>>, vector<32x48xf32>
    %slice3A = vector.extract_strided_slice %get3A_1 {offsets = [0, 0], sizes = [32, 16], strides = [1, 1]} : vector<32x48xf32> to vector<32x16xf32>
    %slice3A_2 = vector.extract_strided_slice %get3A_1 {offsets = [0, 16], sizes = [32, 16], strides = [1, 1]} : vector<32x48xf32> to vector<32x16xf32>
    %bitcast_convert_type3A = tpu.bitcast %slice3A_2 : vector<32x16xf32> -> vector<32x16xi32>
    %slice3A_3 = vector.extract_strided_slice %get3A_1 {offsets = [0, 32], sizes = [32, 16], strides = [1, 1]} : vector<32x48xf32> to vector<32x16xf32>
    %reduce_min3A = vector.shape_cast %slice3A : vector<32x16xf32> to vector<1x32x16xf32>
    %reduce_min3A_4 = arith.constant dense<0x7F800000> : vector<1xf32>
    %reduce_min3A_5 = vector.multi_reduction <minimumf>, %reduce_min3A, %reduce_min3A_4 [1, 2] : vector<1x32x16xf32> to vector<1xf32>
    %reduce_min3A_6 = vector.shape_cast %reduce_min3A_5 : vector<1xf32> to vector<1x1x1xf32>
    %reduce_min3A_7 = vector.extract %reduce_min3A_6[0, 0, 0] : f32 from vector<1x1x1xf32>
    %eq3A = vector.broadcast %reduce_min3A_7 : f32 to vector<32x16xf32>
    %eq3A_8 = arith.cmpf oeq, %slice3A, %eq3A : vector<32x16xf32>
    %jit3A = arith.constant 2147483647 : i32
    %broadcast_in_dim3A = vector.broadcast %jit3A : i32 to vector<32x16xi32>
    %select_n3A = arith.select %eq3A_8, %bitcast_convert_type3A, %broadcast_in_dim3A : vector<32x16xi1>, vector<32x16xi32>
    %reduce_min3A_9 = vector.shape_cast %select_n3A : vector<32x16xi32> to vector<1x32x16xi32>
    %reduce_min3A_10 = arith.constant dense<2147483647> : vector<1xi32>
    %reduce_min3A_11 = vector.multi_reduction <minsi>, %reduce_min3A_9, %reduce_min3A_10 [1, 2] : vector<1x32x16xi32> to vector<1xi32>
    %reduce_min3A_12 = vector.shape_cast %reduce_min3A_11 : vector<1xi32> to vector<1x1x1xi32>
    %reduce_min3A_13 = vector.extract %reduce_min3A_12[0, 0, 0] : i32 from vector<1x1x1xi32>
    %eq3A_14 = vector.broadcast %reduce_min3A_13 : i32 to vector<32x16xi32>
    %eq3A_15 = arith.cmpi eq, %bitcast_convert_type3A, %eq3A_14 : vector<32x16xi32>
    %and3A = arith.andi %eq3A_8, %eq3A_15 : vector<32x16xi1>
    %jit3A_16 = arith.constant 0.000000e+00 : f32
    %broadcast_in_dim3A_17 = vector.broadcast %jit3A_16 : f32 to vector<32x16xf32>
    %select_n3A_18 = arith.select %and3A, %slice3A_3, %broadcast_in_dim3A_17 : vector<32x16xi1>, vector<32x16xf32>
    %reduce_sum3A = vector.shape_cast %select_n3A_18 : vector<32x16xf32> to vector<1x32x16xf32>
    %reduce_sum3A_19 = arith.constant dense<0.000000e+00> : vector<1xf32>
    %reduce_sum3A_20 = vector.multi_reduction <add>, %reduce_sum3A, %reduce_sum3A_19 [1, 2] : vector<1x32x16xf32> to vector<1xf32>
    %reduce_sum3A_21 = vector.shape_cast %reduce_sum3A_20 : vector<1xf32> to vector<1x1x1xf32>
    %reduce_sum3A_22 = vector.extract %reduce_sum3A_21[0, 0, 0] : f32 from vector<1x1x1xf32>
    %shift_right_logical3A = arith.constant 12 : i32
    %shift_right_logical3A_23 = arith.shrui %reduce_min3A_13, %shift_right_logical3A : i32
    %and3A_24 = arith.constant 4095 : i32
    %and3A_25 = arith.andi %reduce_min3A_13, %and3A_24 : i32
    %iota3A = tpu.iota {dimensions = array<i32: 1>} : vector<1x4096xi32>
    %eq3A_26 = vector.broadcast %shift_right_logical3A_23 : i32 to vector<1x4096xi32>
    %eq3A_27 = arith.cmpi eq, %iota3A, %eq3A_26 : vector<1x4096xi32>
    %eq3A_28 = vector.broadcast %and3A_25 : i32 to vector<1x4096xi32>
    %eq3A_29 = arith.cmpi eq, %iota3A, %eq3A_28 : vector<1x4096xi32>
    %sub3A = arith.constant 1.000000e+00 : f32
    %sub3A_30 = arith.subf %sub3A, %reduce_sum3A_22 : f32
    %jit3A_31 = arith.constant 0.000000e+00 : f32
    %broadcast_in_dim3A_32 = vector.broadcast %sub3A_30 : f32 to vector<1x4096xf32>
    %broadcast_in_dim3A_33 = vector.broadcast %jit3A_31 : f32 to vector<1x4096xf32>
    %select_n3A_34 = arith.select %eq3A_29, %broadcast_in_dim3A_32, %broadcast_in_dim3A_33 : vector<1x4096xi1>, vector<1x4096xf32>
    %broadcast_in_dim3A_35 = vector.broadcast %reduce_sum3A_22 : f32 to vector<1x4096xf32>
    %select_n3A_36 = arith.select %eq3A_27, %broadcast_in_dim3A_35, %select_n3A_34 : vector<1x4096xi1>, vector<1x4096xf32>
    %swap3A = arith.constant 0 : index
    %swap3A_37 = arith.constant 0 : index
    %swap3A_38 = vector.load %arg1[%swap3A, %swap3A_37] : memref<1x4096xf32, #tpu.memory_space<vmem>>, vector<1x4096xf32>
    tpu.vector_store %arg1[%swap3A, %swap3A_37], %select_n3A_36 {strides = array<i32>} : memref<1x4096xf32, #tpu.memory_space<vmem>>, vector<1x4096xf32>,
    return
  }
}

</mosaic_0001>

<sc_bundles>
// kernel: kernel.5.cloned.1.call-start
scs
__scs_entry_jumppad:
0x0: {  	(pc) =	sbr.rel $0x88, $3  }
0x1: {  	(tag) =	ssettag $0x0;
	lr =	simm.s32 $0x1  }
0x2: {  	[smem:$0x3FA0] =	sst lr;
	_ =	strace $0xD0000000  }
0x3: {  	_ = 	snop  }
0x4: {  	_ = 	snop  }
0x5: {  	_ = 	snop  }
0x6: {  	_ = 	snop  }
0x7: {  	_ = 	snop  }
__scs_overlays_trampoline_lowered:
0x8: {  	[smem:$0x3FAF] =	sst s0  }
0x9: {  	[smem:$0x3FB0] =	sst s1  }
0xa: {  	[smem:$0x3FB1] =	sst s2  }
0xb: {  	[smem:$0x3FB2] =	sst s3  }
0xc: {  	[smem:$0x3FB3] =	sst s4  }
0xd: {  	[smem:$0x3FB4] =	sst s5  }
0xe: {  	[smem:$0x3FB5] =	sst s6  }
0xf: {  	[smem:$0x3FB6] =	sst s7  }
0x10: {  	[smem:$0x3FB7] =	sst s8  }
0x11: {  	[smem:$0x3FB8] =	sst s9;
	s0 =	simm.s32 @!p0 $0x0  }
0x12: {  	s1 =	sld [smem:$0x3F9E];
	s0 =	simm.s32 @p0 $0x1  }
0x13: {  	[smem:$0x3FB9] =	sst s0;
	s0 =	simm.s32 @!p1 $0x0  }
0x14: {  	s2 =	sld [smem:$0x3F9D];
	s0 =	simm.s32 @p1 $0x1  }
0x15: {  	[smem:$0x3FBA] =	sst s0;
	s0 =	simm.s32 @!p2 $0x0  }
0x16: {  	s3 =	sld [smem:$0x3FDB];
	s0 =	simm.s32 @p2 $0x1  }
0x17: {  	s4 =	simm.s32 $0x1BF5;
	[smem:$0x3FBC] =	sst s0  }
0x18: {  	s0 =	sld [smem:$0x3F9F];
	_ =	swait.ge [sflag:s4], $0x0  }
0x19: {  	s7 =	sld [smem:$0x3FA0]  }
0x1a: {  	s8 =	sadd.s32 $0xFFFFE003, lr  }
0x1b: {  	s9 =	sadd.s32 $0xFFFFFEF7, lr;
	s5 =	simm.s32 $0xFFFFFFFF;
	p2 =	slt.u32 s8, $0xFFFFF086  }
0x1c: {  	p1 =	slt.u32 s9, $0xF7A;
	s5 =	simm.s32 @!p2 $0x0  }
0x1d: {  	s5 =	simm.s32 @p1 $0x1;
	p0 =	seq.s32 s7, s2  }
0x1e: {  	s7 =	smul.u32 @!p0 $0xF7A, s2;
	p2 =	seq.s32 @!p0 s5, $0x0  }
0x1f: {  	s9 =	smul.u32 $0xF7A, s1;
	s8 =	simm.s32 @!p0 $0x1BF5;
	p2 =	por !p2, p0  }
0x20: {  	[sflag:s8] =	ssyncset.s32 @!p0 $0xFFFFF086;
	s6 =	sadd.s32 @!p0 s3, s7;
	s7 =	simm.s32 @!p0 $0x108  }
0x21: {  	s3 =	sadd.s32 s3, s9;
	s6 =	sadd.s32 @!p0 $0x88, s6;
	s7 =	simm.s32 @p2 $0x1082  }
0x22: {  	[simem:s7], [sflag:s8] =	dma.local @!p0 [hbm:s6], $0xF7A  }
0x23: {  	s9 =	sor.u32 $0xD0000000, s2;
	s6 =	simm.s32 $0x108;
	_ =	swait.ge @!p0 [sflag:s8], $0x0  }
0x24: {  	s3 =	sadd.s32 $0x88, s3;
	s6 =	simm.s32 @!p1 $0x1082;
	[sflag:s4] =	ssyncset.s32 $0xFFFFF086  }
0x25: {  	[simem:s6], [sflag:s4] =	dma.local [hbm:s3], $0xF7A  }
0x26: {  	[smem:$0x3FA0] =	sst s1;
	(tag) =	ssettag s2;
	_ =	strace s9  }
0x27: {  	s1 =	sld [smem:$0x3FB0]  }
0x28: {  	s2 =	sld [smem:$0x3FB1]  }
0x29: {  	s4 =	sld [smem:$0x3FB3]  }
0x2a: {  	p0 =	seq.s32 s5, $0x0;
	s5 =	sld [smem:$0x3FB4]  }
0x2b: {  	s6 =	sld [smem:$0x3FB5]  }
0x2c: {  	s7 =	sld [smem:$0x3FB6]  }
0x2d: {  	s3 =	simm.s32 $0x108;
	s8 =	sld [smem:$0x3FB7]  }
0x2e: {  	s3 =	simm.s32 @!p0 $0x1082;
	s9 =	sld [smem:$0x3FB8]  }
0x2f: {  	lr =	sadd.s32 s0, s3;
	s0 =	sld [smem:$0x3FAF]  }
0x30: {  	s3 =	sld [smem:$0x3FB2]  }
0x31: {  	[smem:$0x3FBB] =	sst s10  }
0x32: {  	s10 =	sld [smem:$0x3FB9];
	_ =	sdelay $0x3  }
0x33: {  	p0 =	seq.s32 s10, $0x1;
	s10 =	sld [smem:$0x3FBB];
	_ =	sdelay $0x3  }
0x34: {  	[smem:$0x3FBB] =	sst s10  }
0x35: {  	s10 =	sld [smem:$0x3FBA];
	_ =	sdelay $0x3  }
0x36: {  	p1 =	seq.s32 s10, $0x1;
	s10 =	sld [smem:$0x3FBB];
	_ =	sdelay $0x3  }
0x37: {  	[smem:$0x3FBB] =	sst s10  }
0x38: {  	s10 =	sld [smem:$0x3FBC]  }
0x39: {  	_ = 	snop;
	(pc) =	sbr.ind lr, $3  }
0x3a: {  	_ = 	snop  }
0x3b: {  	_ = 	snop  }
0x3c: {  	p2 =	seq.s32 s10, $0x1;
	s10 =	sld [smem:$0x3FBB]  }
0x3d: {  	_ =	shalt  }
0x3e: {  	_ =	shalt  }
0x3f: {  	_ =	shalt  }
0x40: {  	_ =	shalt  }
0x41: {  	_ =	shalt  }
0x42: {  	_ =	shalt  }
0x43: {  	_ =	shalt  }
0x44: {  	_ =	shalt  }
0x45: {  	_ =	shalt  }
0x46: {  	_ =	shalt  }
0x47: {  	_ =	shalt  }
0x48: {  	_ =	shalt  }
0x49: {  	_ =	shalt  }
0x4a: {  	_ =	shalt  }
0x4b: {  	_ =	shalt  }
0x4c: {  	_ =	shalt  }
0x4d: {  	_ =	shalt  }
0x4e: {  	_ =	shalt  }
0x4f: {  	_ =	shalt  }
0x50: {  	_ =	shalt  }
0x51: {  	_ =	shalt  }
0x52: {  	_ =	shalt  }
0x53: {  	_ =	shalt  }
0x54: {  	_ =	shalt  }
0x55: {  	_ =	shalt  }
0x56: {  	_ =	shalt  }
0x57: {  	_ =	shalt  }
0x58: {  	_ =	shalt  }
0x59: {  	_ =	shalt  }
0x5a: {  	_ =	shalt  }
0x5b: {  	_ =	shalt  }
0x5c: {  	_ =	shalt  }
0x5d: {  	_ =	shalt  }
0x5e: {  	_ =	shalt  }
0x5f: {  	_ =	shalt  }
0x60: {  	_ =	shalt  }
0x61: {  	_ =	shalt  }
0x62: {  	_ =	shalt  }
0x63: {  	_ =	shalt  }
0x64: {  	_ =	shalt  }
0x65: {  	_ =	shalt  }
0x66: {  	_ =	shalt  }
0x67: {  	_ =	shalt  }
0x68: {  	_ =	shalt  }
0x69: {  	_ =	shalt  }
0x6a: {  	_ =	shalt  }
0x6b: {  	_ =	shalt  }
0x6c: {  	_ =	shalt  }
0x6d: {  	_ =	shalt  }
0x6e: {  	_ =	shalt  }
0x6f: {  	_ =	shalt  }
0x70: {  	_ =	shalt  }
0x71: {  	_ =	shalt  }
0x72: {  	_ =	shalt  }
0x73: {  	_ =	shalt  }
0x74: {  	_ =	shalt  }
0x75: {  	_ =	shalt  }
0x76: {  	_ =	shalt  }
0x77: {  	_ =	shalt  }
0x78: {  	_ =	shalt  }
0x79: {  	_ =	shalt  }
0x7a: {  	_ =	shalt  }
0x7b: {  	_ =	shalt  }
0x7c: {  	_ =	shalt  }
0x7d: {  	_ =	shalt  }
0x7e: {  	_ =	shalt  }
0x7f: {  	_ =	shalt  }
0x80: {  	_ =	shalt  }
0x81: {  	_ =	shalt  }
0x82: {  	_ =	shalt  }
0x83: {  	_ =	shalt  }
0x84: {  	_ =	shalt  }
0x85: {  	_ =	shalt  }
0x86: {  	_ =	shalt  }
0x87: {  	_ =	shalt  }
.Lfunc_end0:
.L_simem_size_0:
called_computation_lowered:
.L_overlay_start_0:
0x88: {  	s2 =	sld [smem:$0x3FD9]  }
0x89: {  	s3 =	sld [smem:$0x3FFE];
	_ =	sdelay $0x1  }
0x8a: {  	s1 =	srdreg.scid  }
0x8b: {  	s0 =	sand.u32 $0x1, s1  }
0x8c: {  	s17 =	sshll.u32 s0, $0xA;
	s2 =	sadd.s32 s3, s2  }
0x8d: {  	s2 =	sadd.s32 s2, s17  }
0x8e: {  	[smem:$0x3FC7] =	sst s2  }
0x8f: {  	_ = 	snop  }
0x90: {  	s2 =	sld [smem:$0x3FC9]  }
0x91: {  	s18 =	sld [smem:$0x3FD0];
	(tm) =	ssettm $0x1  }
0x92: {  	s4 =	sld [smem:$0x3FFB];
	_ =	sdelay $0x3  }
0x93: {  	_ =	strace s4  }
0x94: {  	s4 =	sld [smem:$0x3FFC];
	_ =	sdelay $0x3  }
0x95: {  	_ =	strace s4  }
0x96: {  	s4 =	sld [smem:$0x3FFD];
	_ =	sdelay $0x3  }
0x97: {  	_ =	strace s4  }
0x98: {  	_ =	strace $0x8FFFFFFF  }
0x99: {  	s19 =	sld [smem:$0x3FDB];
	_ =	sdelay $0x1  }
0x9a: {  	s5 =	simm.s32 $_scs_section_size  }
0x9b: {  	s6 =	simm.s32 $_size__tile_overlayer_lowered;
	s7 =	simm.s32 $_tile_overlayer_lowered  }
0x9c: {  	s22 =	simm.s32 $0x1BFF;
	s21 =	sshll.u32 s7, $0x1;
	s4 =	sadd.s32 s5, s19  }
0x9d: {  	s8 =	simm.s32 $0x0;
	s20 =	sshll.u32 s6, $0x1;
	s6 =	sadd.s32 s21, s4  }
0x9e: {  	[timem:s8], [sflag:s22] =	dma.local [hbm:s6], s20  }
0x9f: {  	_ =	swait.ge [sflag:s22], s20  }
0xa0: {  	s5 =	ssub.s32 $0x0, s20;
	[sflag:s22] =	ssyncset.done $0x0  }
0xa1: {  	[sflag:s22] =	ssyncadd.s32 s5;
	_ =	sdelay $0x1  }
0xa2: {  	s23 =	simm.s32 $0x1B8B  }
0xa3: {  	_ =	swait.ge [sflag:s23], $0x1  }
0xa4: {  	[sflag:s23] =	ssyncset.done $0x0  }
0xa5: {  	s25 =	simm.s32 $0x1B8E;
	s24 =	sld [smem:$0x3FFE];
	[sflag:s23] =	ssyncadd.s32 $0xFFFFFFFF  }
0xa6: {  	s26 =	simm.s32 $execute0_lowered;
	[smem:$0x3FD2] =	sst s25  }
0xa7: {  	s6 =	sshll.u32 s26, $0x1;
	_ =	strace $0x80000046;
	[dreg:$0x1] =	wrdreg $0xFFFFFFFF  }
0xa8: {  	s28 =	simm.s32 $_size_execute0_lowered;
	s4 =	sadd.s32 s4, s6;
	[dreg:$0x0] =	wrdreg $0x0  }
0xa9: {  	s6 =	sshll.u32 s28, $0x1;
	[dreg:$0x2] =	wrdreg s4  }
0xaa: {  	[dreg:$0x3] =	wrdreg s6  }
0xab: {  	[dreg:$0x4] =	wrdreg $0xC0  }
0xac: {  	_ =	task [dreg:s8], $0x5FFFF  }
0xad: {  	[dreg:$0x1] =	wrdreg $0xFFFFFFFF  }
0xae: {  	[dreg:$0x0] =	wrdreg $0x60  }
0xaf: {  	[dreg:$0x2] =	wrdreg s2  }
0xb0: {  	[dreg:$0x3] =	wrdreg s18  }
0xb1: {  	[dreg:$0x4] =	wrdreg s24  }
0xb2: {  	[dreg:$0x5] =	wrdreg $0x9  }
0xb3: {  	_ =	task.clear_ibuf [dreg:s8], $0x6FFFF;
	_ =	strace $0x90000046  }
0xb4: {  	s29 =	simm.s32 $0x9;
	_ =	strace $0x80000048  }
0xb5: {  	_ =	swait.ge [sflag:s29], $0x1  }
0xb6: {  	[sflag:s29] =	ssyncadd.s32 $0xFFFFFFFF  }
0xb7: {  	_ =	strace $0x90000048  }
0xb8: {  	_ =	sfence  }
0xb9: {  	s30 =	sld [smem:$0x0];
	_ =	sdelay $0x2  }
0xba: {  	s31 =	sshll.u32 s1, $0xD;
	s1 =	sshrl.u32 s1, $0x2  }
0xbb: {  	s3 =	sand.u32 $0x4000, s31;
	s1 =	sadd.s32 s1, s30  }
0xbc: {  	s0 =	sor.u32 s3, s0;
	s1 =	sshll.u32 s1, $0x11  }
0xbd: {  	s0 =	sor.u32 s1, s0  }
0xbe: {  	s0 =	sadd.s32 $0x8F2B, s0  }
0xbf: {  	[sflag:s0] =	ssyncadd.remote.s32 $0x1  }
0xc0: {  	_ =	sfence.sel $0xFFFF  }
0xc1: {  	[dreg:$0x0] =	wrdreg $0xFFFFFFFF;
	(pc) =	sbr.abs _section_cstart, $3  }
0xc2: {  	[dreg:$0x1] =	wrdreg $0xFFFFFFFF  }
0xc3: {  	_ =	task.clear_ibuf [dreg:s8], $0x2FFFF;
	_ =	strace $0x9FFFFFFF  }
0xc4: {  	(tm) =	ssettm $0x7FFFFFFF  }
0xc5: {  	_ =	shalt  }
tec
execute0_lowered:
.L_overlay_start_1:
0x0: {  	(tag) =	ssettag $0x1  }
0x1: {  	s5 =	rddreg [dreg:$0x0]  }
0x2: {  	s2 =	rddreg [dreg:$0x1]  }
0x3: {  	s6 =	rddreg [dreg:$0x2]  }
0x4: {  	s0 =	rddreg [dreg:$0x3]  }
0x5: {  	s4 =	srdreg.scid;
	s1 =	stileid.u32;
	s3 =	simm.s32 $0x0  }
0x6: {  	s10 =	simm.s32 $0x400;
	s11 =	simm.s32 $0x1080;
	s12 =	simm.s32 $0x2080  }
0x7: {  	s13 =	simm.s32 $0x0;
	s7 =	sand.u32 $0x1, s4;
	s31 =	sshll.u32 s1, $0x1  }
.Ltmp0:
0x8: {  	[smem:$0x7FF] =	sst s3;
	s4 =	sor.u32 s7, s31;
	(pc) =	sbr.rel .LBB2_1-.Ltmp0, $4  }
0x9: {  	s7 =	ssub.s32 $0x2, s7;
	_ =	strace $0x80000047;
	s8 =	sshll.u32 s4, $0x4  }
0xa: {  	s9 =	sshrl.u32 s7, $0x1;
	s6 =	sadd.s32 s8, s6;
	s8 =	sand.u32 $0x70, s8  }
0xb: {  	s7 =	ssub.s32 s7, s9;
	s9 =	simm.s32 $0x80;
	s5 =	sadd.s32 s5, s8  }
0xc: {  	v0 =	vlaneseq.u32;
	s6 =	sadd.s32 $0x800, s6;
	s7 =	smax.u32 s7, $0x1;
	s8 =	simm.s32 $0x1  }
.LBB2_11:
0xd: {  	[tilespmem:$0x2080] =	vst v4;
	s13 =	sadd.s32 $0x1, s13  }
0xe: {  	[tilespmem:$0x2090] =	vst v3;
	p0 =	sne.s32 s13, s7  }
.Ltmp1:
0xf: {  	[tilespmem:$0x20A0] =	vst v2;
	(pc) =	sbr.rel @!p0 .LBB2_12-.Ltmp1, $4  }
0x10: {  	[hbm4b:s6+s3] =	stream.linear.scatter [tilespmem:s12], [sflag:$0x1], $0x80, $0x38;
	[tilespmem:$0x2100] =	vst v63  }
0x11: {  	_ =	swait.ge [sflag:s8], $0x80  }
0x12: {  	[sflag:s8] =	ssyncset.done $0x0  }
0x13: {  	[sflag:s8] =	ssyncadd.s32 $0xFFFFFF80  }
.LBB2_1:
.Ltmp2:
0x14: {  	(pc) =	sbr.rel .LBB2_2-.Ltmp2, $4  }
0x15: {  	[tilespmem:s3], [sflag:$0x1] =	stream.linear.gather [hbm4b:s2+s3], $0x1000, $0x38;
	[tilespmem:$0x2100] =	vst v63  }
0x16: {  	_ =	swait.ge [sflag:s8], $0x1000  }
0x17: {  	[sflag:s8] =	ssyncset.done $0x0  }
0x18: {  	v4 =	vimm.f32 $+Inf;
	v3 =	vimm.s32 $0x0;
	v2 =	vimm.f32 $0.0e+00;
	s14 =	simm.s32 $0x0;
	[sflag:s8] =	ssyncadd.s32 $0xFFFFF000  }
.LBB2_4:
0x19: {  	v19 =	vmov v5  }
.LBB2_9:
0x1a: {  	(erf) = vrcp.f32 v28  }
0x1b: {  	v7 =	vadd.f32 $9.999999930e-09, v21  }
0x1c: {  	(erf) = vrcp.f32 v27  }
0x1d: {  	v8 =	vadd.f32 $9.999999930e-09, v16;
	(erf) = vrcp.f32 v7  }
0x1e: {  	v6 =	vsel @p0 vm0, v6, v31;
	v9 =	vsel @p0 vm0, v22, v32;
	vm13 =	vlt.f32 v23, v1  }
0x1f: {  	v11 =	vsub.f32 v23, v15;
	vm1 =	vlt.f32 v25, v1;
	(erf) = vrcp.f32 v8  }
0x20: {  	v12 =	vsub.f32 v25, v17;
	v13 =	vsub.f32 v26, v18;
	vm2 =	vlt.f32 v25, v17  }
0x21: {  	v14 =	vsub.f32 v20, v24;
	v53 =	vsub.f32 v15, v23;
	vm3 =	vlt.f32 v26, v1  }
0x22: {  	v54 =	vsub.f32 v18, v26;
	v56 =	vsub.f32 v17, v25;
	vm4 =	vlt.f32 v26, v18  }
0x23: {  	v58 =	vsub.f32 v24, v20;
	vm5 =	vlt.f32 v24, v20;
	vm6 =	vlt.f32 v24, v1;
	v55 =	vpop (erf)  }
0x24: {  	vm7 =	vlt.f32 v23, v15;
	v3 =	vpsel p0, v6, v3;
	v14 =	vmul.f32 v55, v14  }
0x25: {  	v2 =	vpsel p0, v9, v2;
	v7 =	vsel @p0 vm0, v29, v30;
	v8 =	vadd.s32 @p0 $0x40, v19;
	v57 =	vpop (erf)  }
0x26: {  	v4 =	vpsel p0, v7, v4;
	v19 =	vmul.f32 v57, v54;
	v59 =	vpop (erf);
	v14 =	vnsel vm5, $0x0, v14  }
0x27: {  	v5 =	vpsel p0, v8, v5;
	v21 =	vmul.f32 v59, v56;
	v14 =	vnsel vm6, $0x3F800000, v14  }
0x28: {  	v8 =	vadd.s32 $0x30, v5;
	v60 =	vpop (erf);
	v19 =	vnsel vm4, $0x0, v19;
	v61 =	vmul.f32 v14, v58  }
0x29: {  	v16 =	vmul.f32 v60, v53;
	v19 =	vnsel vm3, $0x3F800000, v19;
	v21 =	vnsel vm2, $0x0, v21  }
0x2a: {  	v13 =	vmul.f32 v19, v13;
	v21 =	vnsel vm1, $0x3F800000, v21;
	v22 =	vadd.f32 v61, v20  }
0x2b: {  	v10 =	vadd.s32 $0x10, v5;
	v16 =	vnsel vm7, $0x0, v16;
	v12 =	vmul.f32 v21, v12  }
0x2c: {  	v16 =	vnsel vm13, $0x3F800000, v16;
	v13 =	vadd.f32 v13, v18;
	v20 =	vsel vm5, v22, v20  }
0x2d: {  	v62 =	vadd.s32 $0x20, v5;
	v11 =	vmul.f32 v16, v11;
	v20 =	vsel vm6, v20, v1  }
0x2e: {  	v12 =	vadd.f32 v12, v17;
	v13 =	vsel vm4, v13, v18;
	vm14 =	vlt.f32 v20, v4  }
0x2f: {  	v7 =	vadd.f32 v11, v15;
	v63 =	vsel vm3, v13, v1;
	v4 =	vsel vm14, v20, v4  }
0x30: {  	v12 =	vsel vm2, v12, v17;
	v3 =	vsel vm14, v5, v3;
	vm15 =	vlt.f32 v63, v4  }
0x31: {  	v5 =	vsel vm1, v12, v1;
	v6 =	vsel vm7, v7, v15;
	v4 =	vsel vm15, v63, v4  }
0x32: {  	v2 =	vsel vm14, v14, v2;
	v1 =	vsel vm13, v6, v1;
	vm1 =	vlt.f32 v5, v4  }
0x33: {  	v3 =	vsel vm15, v10, v3;
	v2 =	vsel vm15, v19, v2;
	v4 =	vsel vm1, v5, v4  }
0x34: {  	v3 =	vsel vm1, v62, v3;
	v2 =	vsel vm1, v21, v2;
	vm0 =	vlt.f32 v1, v4  }
0x35: {  	v4 =	vsel vm0, v1, v4;
	v3 =	vsel vm0, v8, v3;
	v2 =	vsel vm0, v16, v2  }
.LBB2_10:
0x36: {  	s14 =	sadd.s32 $0x1, s14  }
0x37: {  	p0 =	sne.s32 s14, $0x80  }
.Ltmp3:
0x38: {  	_ = 	snop;
	(pc) =	sbr.rel @!p0 .LBB2_11-.Ltmp3, $1  }
0x39: {  	_ =	sdelay $0x3  }
.LBB2_2:
0x3a: {  	s15 =	sshll.u32 s14, $0x5  }
0x3b: {  	s17 =	sor.u32 s4, s15  }
0x3c: {  	s15 =	sshll.u32 s17, $0x9  }
0x3d: {  	s15 =	sand.u32 $0x1FF000, s15  }
0x3e: {  	s15 =	sadd.s32 s15, s5  }
0x3f: {  	[tilespmem:s11], [sflag:$0x1] =	stream.strided.gather [hbm4b:s15+s9], $0x1000, s10, s9, $0x38;
	[tilespmem:$0x2100] =	vst v63  }
0x40: {  	_ =	swait.ge [sflag:s8], $0x1000  }
0x41: {  	[sflag:s8] =	ssyncset.done $0x0  }
0x42: {  	s16 =	sshrl.u32 s14, $0x1;
	[sflag:s8] =	ssyncadd.s32 $0xFFFFF000  }
0x43: {  	s15 =	sshll.u32 s16, $0x6;
	v1 =	vld.msk [tilespmem:s17+$0x0 ss:$0x0], $0xffff  }
0x44: {  	v5 =	vld [tilespmem:s15+$0x1080]  }
0x45: {  	v6 =	vld [tilespmem:s15+$0x0];
	_ =	sdelay $0x3  }
0x46: {  	v7 =	vld [tilespmem:s15+$0x1090]  }
0x47: {  	v10 =	vld [tilespmem:s15+$0x10];
	v8 =	vadd.f32 v6, v1;
	v9 =	vadd.f32 v5, v5;
	_ =	sdelay $0x1  }
0x48: {  	v8 =	vsub.f32 v8, v9;
	_ =	sdelay $0x1  }
0x49: {  	v8 =	vadd.f32 $9.999999930e-09, v8  }
0x4a: {  	v41 =	vld [tilespmem:s15+$0x10A0];
	v11 =	vadd.f32 v10, v1;
	v12 =	vadd.f32 v7, v7  }
0x4b: {  	v13 =	vld [tilespmem:s15+$0x20];
	(erf) = vrcp.f32 v8  }
0x4c: {  	v42 =	vsub.f32 v11, v12  }
0x4d: {  	v43 =	vld [tilespmem:s15+$0x10B0]  }
0x4e: {  	v15 =	vld [tilespmem:s15+$0x30];
	v8 =	vadd.f32 $9.999999930e-09, v42;
	_ =	sdelay $0x1  }
0x4f: {  	v44 =	vadd.f32 v13, v1;
	v14 =	vadd.f32 v41, v41;
	(erf) = vrcp.f32 v8;
	_ =	sdelay $0x1  }
0x50: {  	v46 =	vsub.f32 v6, v5;
	v45 =	vsub.f32 v44, v14  }
0x51: {  	v16 =	vadd.f32 v15, v1;
	v17 =	vadd.f32 v43, v43  }
0x52: {  	vm0 =	vlt.f32 v5, v6;
	vm1 =	vlt.f32 v5, v1;
	v8 =	vadd.f32 $9.999999930e-09, v45;
	v47 =	vpop (erf)  }
0x53: {  	v5 =	vsub.f32 v5, v6;
	v48 =	vsub.f32 v16, v17;
	v12 =	vmul.f32 v47, v46  }
0x54: {  	(erf) = vrcp.f32 v8  }
0x55: {  	v50 =	vmov s17;
	s18 =	sor.u32 $0x10, s15;
	v8 =	vadd.f32 $9.999999930e-09, v48;
	v12 =	vnsel vm0, $0x0, v12  }
0x56: {  	v18 =	vor.u32 s15, v0;
	v59 =	vor.u32 s18, v0;
	v12 =	vnsel vm1, $0x3F800000, v12  }
0x57: {  	s31 =	sor.u32 $0x30, s15;
	v49 =	vsub.f32 v10, v7;
	v51 =	vmul.f32 v12, v5;
	v5 =	vpop (erf);
	(erf) = vrcp.f32 v8  }
0x58: {  	vm7 =	vgt.u32 v18, s17;
	v63 =	vor.u32 s31, v0;
	vm9 =	vgt.u32 v59, s17  }
0x59: {  	vm14 =	vgt.u32 v63, s17;
	vm2 =	vlt.f32 v7, v10;
	v14 =	vmul.f32 v5, v49  }
0x5a: {  	vm3 =	vlt.f32 v7, v1;
	v7 =	vsub.f32 v7, v10;
	v52 =	vadd.f32 v51, v6  }
0x5b: {  	v54 =	vsub.f32 v13, v41;
	vm8 =	vlt.f32 v41, v13;
	v14 =	vnsel vm2, $0x0, v14  }
0x5c: {  	vm4 =	vlt.f32 v41, v1;
	v6 =	vsel vm0, v52, v6;
	v53 =	vnsel vm3, $0x3F800000, v14  }
0x5d: {  	v57 =	vsub.f32 v15, v43;
	v55 =	vpop (erf);
	v6 =	vsel vm1, v6, v1;
	v7 =	vmul.f32 v53, v7  }
0x5e: {  	vm10 =	vlt.f32 v43, v15;
	v14 =	vmul.f32 v55, v54;
	v6 =	vnsel vm7, $0x7F800000, v6  }
0x5f: {  	vm5 =	vlt.f32 v43, v1;
	vm0 =	vlt.f32 v6, v4;
	v7 =	vadd.f32 v7, v10  }
0x60: {  	v9 =	vsub.f32 v41, v13;
	v14 =	vnsel vm8, $0x0, v14;
	v4 =	vsel vm0, v6, v4;
	v58 =	vpop (erf)  }
0x61: {  	v6 =	vnsel vm4, $0x3F800000, v14;
	v7 =	vsel vm2, v7, v10;
	v10 =	vmul.f32 v58, v57  }
0x62: {  	v11 =	vsub.f32 v43, v15;
	v5 =	vshll.u32 v50, $0xC;
	v9 =	vmul.f32 v6, v9  }
0x63: {  	v56 =	vor.u32 v18, v5;
	v60 =	vor.u32 v5, v59;
	v10 =	vnsel vm10, $0x0, v10  }
0x64: {  	v7 =	vsel vm3, v7, v1;
	v9 =	vadd.f32 v9, v13;
	v10 =	vnsel vm5, $0x3F800000, v10  }
0x65: {  	v3 =	vsel vm0, v56, v3;
	v7 =	vnsel vm9, $0x7F800000, v7;
	v11 =	vmul.f32 v10, v11  }
0x66: {  	s30 =	sor.u32 $0x20, s15;
	v2 =	vsel vm0, v12, v2;
	vm11 =	vlt.f32 v7, v4;
	v9 =	vsel vm8, v9, v13  }
0x67: {  	v4 =	vsel vm11, v7, v4;
	v7 =	vor.u32 s30, v0;
	v11 =	vadd.f32 v11, v15  }
0x68: {  	p0 =	sgt.u32 s14, $0x7D;
	v3 =	vsel vm11, v60, v3;
	v9 =	vsel vm4, v9, v1;
	vm12 =	vgt.u32 v7, s17  }
.Ltmp4:
0x69: {  	v2 =	vsel vm11, v53, v2;
	v61 =	vnsel vm12, $0x7F800000, v9;
	v62 =	vsel vm10, v11, v15;
	(pc) =	sbr.rel @p0 .LBB2_10-.Ltmp4, $4  }
0x6a: {  	v7 =	vor.u32 v5, v7;
	vm13 =	vlt.f32 v61, v4;
	v9 =	vsel vm5, v62, v1  }
0x6b: {  	v4 =	vsel vm13, v61, v4;
	v3 =	vsel vm13, v7, v3;
	v7 =	vnsel vm14, $0x7F800000, v9  }
0x6c: {  	v2 =	vsel vm13, v6, v2;
	v6 =	vor.u32 v5, v63;
	vm15 =	vlt.f32 v7, v4  }
0x6d: {  	v4 =	vsel vm15, v7, v4;
	v3 =	vsel vm15, v6, v3;
	v2 =	vsel vm15, v10, v2  }
0x6e: {  	s17 =	sand.u32 $0x3FFFFFC0, s15  }
0x6f: {  	s19 =	sadd.s32 $0x10F0, s17  }
0x70: {  	s18 =	sadd.s32 $0x70, s17;
	v23 =	vld [tilespmem:s19+$0x0]  }
0x71: {  	v15 =	vld [tilespmem:s18+$0x0]  }
0x72: {  	v26 =	vld [tilespmem:s19+$0xFFFFFFE0]  }
0x73: {  	v24 =	vld [tilespmem:s19+$0xFFFFFFD0]  }
0x74: {  	v20 =	vld [tilespmem:s18+$0xFFFFFFD0]  }
0x75: {  	v18 =	vld [tilespmem:s18+$0xFFFFFFE0]  }
0x76: {  	v17 =	vld [tilespmem:s18+$0xFFFFFFF0]  }
0x77: {  	s16 =	sadd.s32 $0xFFFFFFFF, s16;
	v25 =	vld [tilespmem:s19+$0xFFFFFFF0]  }
0x78: {  	s16 =	sadd.s32 $0x1, s16;
	v6 =	vadd.f32 v15, v1;
	v7 =	vadd.f32 v23, v23  }
0x79: {  	p1 =	slt.u32 s16, $0x3E;
	v10 =	vadd.f32 v20, v1;
	v11 =	vadd.f32 v24, v24  }
.Ltmp5:
0x7a: {  	v8 =	vadd.f32 v18, v1;
	v9 =	vadd.f32 v26, v26;
	(pc) =	sbr.rel @!p1 .LBB2_4-.Ltmp5, $4  }
0x7b: {  	v12 =	vadd.f32 v17, v1;
	v63 =	vsub.f32 v10, v11  }
0x7c: {  	s31 =	sadd.s32 $0x40, s15;
	v13 =	vadd.f32 v25, v25;
	v8 =	vsub.f32 v8, v9  }
0x7d: {  	v5 =	vadd.s32 s31, v5;
	v16 =	vsub.f32 v6, v7;
	v28 =	vadd.f32 $9.999999930e-09, v63  }
0x7e: {  	p0 =	por $0x0, $0x0;
	v5 =	vadd.s32 v0, v5;
	s17 =	sadd.s32 $0x40, s19;
	v21 =	vsub.f32 v12, v13;
	v27 =	vadd.f32 $9.999999930e-09, v8  }
0x7f: {  	v7 =	vld [tilespmem:s17+$0x0]  }
0x80: {  	(erf) = vrcp.f32 v28;
	v9 =	vld [tilespmem:s17+$0xFFFFFFF0];
	v11 =	vadd.f32 $9.999999930e-09, v21  }
0x81: {  	v6 =	vadd.s32 $0x30, v5;
	v13 =	vadd.f32 $9.999999930e-09, v16;
	v12 =	vld [tilespmem:s17+$0xFFFFFFE0];
	(erf) = vrcp.f32 v27  }
0x82: {  	s15 =	sadd.s32 $0x40, s18;
	v19 =	vadd.s32 $0x10, v5;
	vm0 =	vlt.f32 v23, v1;
	v14 =	vld [tilespmem:s17+$0xFFFFFFD0];
	(erf) = vrcp.f32 v11  }
0x83: {  	v28 =	vsub.f32 v23, v15;
	vm1 =	vlt.f32 v25, v1;
	v8 =	vld [tilespmem:s15+$0x0];
	(erf) = vrcp.f32 v13  }
0x84: {  	vm2 =	vlt.f32 v23, v15;
	v22 =	vsub.f32 v26, v18;
	vm3 =	vlt.f32 v25, v17;
	v10 =	vld [tilespmem:s15+$0xFFFFFFF0]  }
0x85: {  	v23 =	vsub.f32 v15, v23;
	v29 =	vsub.f32 v24, v20;
	vm4 =	vlt.f32 v26, v1;
	v11 =	vld [tilespmem:s15+$0xFFFFFFE0]  }
0x86: {  	v16 =	vsub.f32 v20, v24;
	v30 =	vsub.f32 v18, v26;
	vm5 =	vlt.f32 v26, v18;
	v13 =	vld [tilespmem:s15+$0xFFFFFFD0]  }
0x87: {  	vm6 =	vlt.f32 v24, v1;
	v21 =	vsub.f32 v25, v17;
	v25 =	vsub.f32 v17, v25  }
0x88: {  	vm7 =	vlt.f32 v24, v20;
	v31 =	vadd.f32 v7, v7;
	v26 =	vadd.f32 v8, v1  }
0x89: {  	v27 =	vadd.s32 $0x20, v5;
	v33 =	vadd.f32 v9, v9;
	v35 =	vadd.f32 v12, v12;
	v24 =	vpop (erf)  }
0x8a: {  	v37 =	vadd.f32 v14, v14;
	v32 =	vadd.f32 v10, v1;
	v24 =	vmul.f32 v24, v16;
	v16 =	vpop (erf)  }
0x8b: {  	v34 =	vadd.f32 v11, v1;
	v36 =	vadd.f32 v13, v1;
	v30 =	vmul.f32 v16, v30;
	v38 =	vpop (erf)  }
0x8c: {  	v16 =	vsub.f32 v26, v31;
	v24 =	vnsel vm7, $0x0, v24;
	v25 =	vmul.f32 v38, v25;
	v26 =	vpop (erf)  }
0x8d: {  	v24 =	vnsel vm6, $0x3F800000, v24;
	v30 =	vnsel vm5, $0x0, v30;
	v23 =	vmul.f32 v26, v23  }
0x8e: {  	v26 =	vmul.f32 v24, v29;
	v29 =	vnsel vm4, $0x3F800000, v30;
	v25 =	vnsel vm3, $0x0, v25  }
0x8f: {  	v30 =	vmul.f32 v29, v22;
	v25 =	vnsel vm1, $0x3F800000, v25;
	v22 =	vnsel vm2, $0x0, v23  }
0x90: {  	v23 =	vadd.f32 v26, v20;
	v26 =	vmul.f32 v25, v21;
	v22 =	vnsel vm0, $0x3F800000, v22  }
0x91: {  	v63 =	vsub.f32 v34, v35;
	v30 =	vadd.f32 v30, v18;
	v28 =	vmul.f32 v22, v28  }
0x92: {  	v21 =	vsub.f32 v32, v33;
	v20 =	vsel vm7, v23, v20;
	v23 =	vadd.f32 v26, v17  }
0x93: {  	v20 =	vsel vm6, v20, v1;
	v18 =	vsel vm5, v30, v18;
	v26 =	vadd.f32 v28, v15  }
0x94: {  	s16 =	sadd.s32 $0x1, s16;
	vm15 =	vlt.f32 v20, v4;
	v18 =	vsel vm4, v18, v1;
	v17 =	vsel vm3, v23, v17  }
0x95: {  	p1 =	slt.u32 s16, $0x3E;
	v20 =	vsel vm15, v20, v4;
	v23 =	vsel vm15, v5, v3;
	v24 =	vsel vm15, v24, v2  }
.Ltmp6:
0x96: {  	vm3 =	vlt.f32 v18, v20;
	v17 =	vsel vm1, v17, v1;
	v15 =	vsel vm2, v26, v15;
	(pc) =	sbr.rel @!p1 .LBB2_6-.Ltmp6, $4  }
0x97: {  	v18 =	vsel vm3, v18, v20;
	v19 =	vsel vm3, v19, v23;
	v23 =	vsub.f32 v36, v37  }
0x98: {  	v20 =	vsel vm3, v29, v24;
	v29 =	vsel vm0, v15, v1;
	vm1 =	vlt.f32 v17, v18  }
0x99: {  	v30 =	vsel vm1, v17, v18;
	v31 =	vsel vm1, v27, v19;
	v28 =	vadd.f32 $9.999999930e-09, v23  }
0x9a: {  	s17 =	sadd.s32 $0x40, s17;
	p0 =	por $0x1, $0x1;
	v32 =	vsel vm1, v25, v20;
	v27 =	vadd.f32 $9.999999930e-09, v63;
	vm0 =	vlt.f32 v29, v30;
	v19 =	vmovc v5  }
.LBB2_7:
0x9b: {  	v15 =	vld [tilespmem:s17+$0x0];
	s15 =	sadd.s32 $0x40, s15;
	v17 =	vsel vm0, v29, v30;
	v18 =	vsel vm0, v6, v31;
	v20 =	vsel vm0, v22, v32  }
0x9c: {  	v21 =	vadd.f32 $9.999999930e-09, v21;
	v19 =	vadd.s32 $0x40, v19;
	v23 =	vld [tilespmem:s15+$0x0];
	(erf) = vrcp.f32 v28  }
0x9d: {  	v16 =	vadd.f32 $9.999999930e-09, v16;
	v6 =	vadd.s32 $0x30, v19;
	v22 =	vld [tilespmem:s17+$0xFFFFFFF0];
	(erf) = vrcp.f32 v27  }
0x9e: {  	v25 =	vadd.s32 $0x10, v19;
	v26 =	vadd.s32 $0x20, v19;
	v24 =	vld [tilespmem:s15+$0xFFFFFFF0];
	(erf) = vrcp.f32 v21  }
0x9f: {  	vm0 =	vlt.f32 v7, v1;
	v27 =	vsub.f32 v7, v8;
	v21 =	vld [tilespmem:s17+$0xFFFFFFE0];
	(erf) = vrcp.f32 v16  }
0xa0: {  	vm1 =	vlt.f32 v9, v1;
	v29 =	vsub.f32 v9, v10;
	vm2 =	vlt.f32 v7, v8;
	v28 =	vld [tilespmem:s15+$0xFFFFFFE0]  }
0xa1: {  	v31 =	vsub.f32 v12, v11;
	vm3 =	vlt.f32 v9, v10;
	v32 =	vsub.f32 v8, v7;
	v7 =	vmovc v15;
	v30 =	vld [tilespmem:s17+$0xFFFFFFD0]  }
0xa2: {  	v34 =	vsub.f32 v14, v13;
	vm4 =	vlt.f32 v12, v1;
	v35 =	vsub.f32 v10, v9;
	v33 =	vld [tilespmem:s15+$0xFFFFFFD0];
	v9 =	vmovc v22  }
0xa3: {  	v42 =	vsub.f32 v13, v14;
	v36 =	vsub.f32 v11, v12;
	vm5 =	vlt.f32 v12, v11  }
0xa4: {  	vm6 =	vlt.f32 v14, v1;
	v37 =	vadd.f32 v23, v1;
	v15 =	vadd.f32 v15, v7;
	v12 =	vmovc v21  }
0xa5: {  	vm7 =	vlt.f32 v14, v13;
	v38 =	vadd.f32 v24, v1;
	v39 =	vadd.f32 v22, v9;
	v14 =	vpop (erf)  }
0xa6: {  	v40 =	vadd.f32 v28, v1;
	v41 =	vadd.f32 v21, v12;
	v44 =	vmul.f32 v14, v42;
	v16 =	vpop (erf)  }
0xa7: {  	v43 =	vadd.f32 v30, v30;
	v42 =	vadd.f32 v33, v1;
	v21 =	vmul.f32 v16, v36;
	v22 =	vpop (erf)  }
0xa8: {  	v16 =	vsub.f32 v37, v15;
	v36 =	vnsel vm7, $0x0, v44;
	v15 =	vmul.f32 v22, v35;
	v22 =	vpop (erf)  }
0xa9: {  	v14 =	vmovc v30;
	v35 =	vnsel vm6, $0x3F800000, v36;
	v21 =	vnsel vm5, $0x0, v21;
	v22 =	vmul.f32 v22, v32  }
0xaa: {  	v30 =	vmul.f32 v35, v34;
	v32 =	vnsel vm4, $0x3F800000, v21;
	v15 =	vnsel vm3, $0x0, v15  }
0xab: {  	v31 =	vmul.f32 v32, v31;
	v15 =	vnsel vm1, $0x3F800000, v15;
	v21 =	vnsel vm2, $0x0, v22  }
0xac: {  	v30 =	vadd.f32 v30, v13;
	v29 =	vmul.f32 v15, v29;
	v22 =	vnsel vm0, $0x3F800000, v21  }
0xad: {  	s16 =	sadd.s32 $0x1, s16;
	v21 =	vsub.f32 v38, v39;
	v31 =	vadd.f32 v31, v11;
	v27 =	vmul.f32 v22, v27  }
0xae: {  	p1 =	slt.u32 s16, $0x3E;
	v34 =	vsub.f32 v40, v41;
	v30 =	vsel vm7, v30, v13;
	v29 =	vadd.f32 v29, v10;
	v13 =	vmovc v33  }
0xaf: {  	v30 =	vsel vm6, v30, v1;
	v31 =	vsel vm5, v31, v11;
	v27 =	vadd.f32 v27, v8;
	v11 =	vmovc v28  }
0xb0: {  	vm5 =	vlt.f32 v30, v17;
	v28 =	vsel vm4, v31, v1;
	v29 =	vsel vm3, v29, v10;
	v10 =	vmovc v24  }
0xb1: {  	v17 =	vsel vm5, v30, v17;
	v18 =	vsel vm5, v19, v18;
	v20 =	vsel vm5, v35, v20  }
.Ltmp7:
0xb2: {  	v24 =	vsel vm1, v29, v1;
	v27 =	vsel vm2, v27, v8;
	v8 =	vmovc v23;
	vm3 =	vlt.f32 v28, v17;
	(pc) =	sbr.rel @p1 .LBB2_7-.Ltmp7, $4  }
0xb3: {  	v17 =	vsel vm3, v28, v17;
	v18 =	vsel vm3, v25, v18;
	v20 =	vsel vm3, v32, v20  }
0xb4: {  	v23 =	vsub.f32 v42, v43;
	v29 =	vsel vm0, v27, v1;
	vm1 =	vlt.f32 v24, v17  }
0xb5: {  	v30 =	vsel vm1, v24, v17;
	v31 =	vsel vm1, v26, v18;
	v32 =	vsel vm1, v15, v20  }
0xb6: {  	s17 =	sadd.s32 $0x40, s17;
	v27 =	vadd.f32 $9.999999930e-09, v34;
	v28 =	vadd.f32 $9.999999930e-09, v23;
	vm0 =	vlt.f32 v29, v30  }
.Ltmp8:
0xb7: {  	(pc) =	sbr.rel .LBB2_9-.Ltmp8, $3  }
0xb8: {  	_ =	sdelay $0x1  }
0xb9: {  	v23 =	vmov v7;
	v15 =	vmov v8;
	v25 =	vmov v9  }
0xba: {  	v17 =	vmovc v10;
	v26 =	vmovc v12;
	v18 =	vmov v11;
	v24 =	vmov v14;
	v20 =	vmov v13  }
.LBB2_6:
.Ltmp9:
0xbb: {  	(pc) =	sbr.rel .LBB2_9-.Ltmp9, $3  }
0xbc: {  	_ =	sdelay $0x1  }
0xbd: {  	v19 =	vmovc v5;
	v23 =	vmov v7;
	v15 =	vmov v8;
	v25 =	vmov v9  }
0xbe: {  	v17 =	vmovc v10;
	v26 =	vmovc v12;
	v18 =	vmov v11;
	v24 =	vmov v14;
	v20 =	vmov v13  }
.LBB2_12:
0xbf: {  	_ =	sfence.sel $0x180000  }
0xc0: {  	[bflag:$0x0] =	sbarrier.arrive $0xFFFF  }
0xc1: {  	p0 =	sne.s32 s1, $0x0;
	_ =	strace $0x90000047  }
0xc2: {  	s0 =	sadd.s32 @!p0 $0x100000, s0;
	[bflag:$0x2] =	sbarrier.arrive $0xFFFF  }
0xc3: {  	[sflag:s0] =	ssyncadd.tile.s32 @!p0 $0x1;
	_ =	shalt  }
.Lfunc_end2:
_tile_overlayer_lowered:
.L_overlay_start_2:
0xc4: {  	(tag) =	ssettag $0x2  }
0xc5: {  	s0 =	rddreg [dreg:$0x0];
	s2 =	stileid.u32  }
0xc6: {  	s1 =	rddreg [dreg:$0x1];
	p0 =	sne.s32 s2, $0x0  }
0xc7: {  	s3 =	rddreg [dreg:$0x2];
	[bflag:$0x3] =	sbarrier.arrive $0xFFFF;
	s2 =	simm.s32 @!p0 $0x1C01  }
0xc8: {  	[timem:s3], [sflag:s2] =	dma.local @!p0 [hbm:s0], s1  }
0xc9: {  	s0 =	simm.s32 @!p0 $0x1  }
0xca: {  	_ =	swait.ge @!p0 [sflag:s0], s1  }
0xcb: {  	s1 =	ssub.s32 @!p0 $0x0, s1;
	[sflag:s0] =	ssyncset.done @!p0 $0x0  }
0xcc: {  	[sflag:s0] =	ssyncadd.s32 @!p0 s1  }
0xcd: {  	[bflag:$0x3] =	sbarrier.arrive $0xFFFF  }
0xce: {  	_ =	shalt  }

</sc_bundles>
